<compile_context>
chip_gen: v7x
topology: tpu7x:2x2x1
jax: 0.10.2.dev20260603
libtpu: 0.0.44.dev20260713+nightly
codegen_flags: <defaults>
</compile_context>

<pallas_src>
import functools

import jax
import jax.numpy as jnp
from jax import lax
from jax.experimental import pallas as pl
from jax.experimental.pallas import tpu as pltpu
from jax.experimental.pallas import tpu_sc as plsc

N = 10000
E = 320000
D = 128
EPS = 1e-5

NC = 2
NS = 16
NW = NC * NS
BLK = 128
EPW_BLKS = 81
E_PAD = NW * EPW_BLKS * BLK
N_PAD = 10112
ROWS_PER_SUB = N_PAD // NS
NB = 3


NBLK_REAL = E // BLK
NBLK_PAD = E_PAD // BLK - NBLK_REAL


def _sc_segment_sum(xg, e3, pad_s, pad_d):
    mesh = plsc.VectorSubcoreMesh(
        core_axis_name="c", subcore_axis_name="s", num_cores=NC,
        num_subcores=NS)

    @functools.partial(
        pl.kernel,
        out_type=jax.ShapeDtypeStruct((NC, N_PAD, D), jnp.float32),
        mesh=mesh,
        scratch_types=dict(
            acc=pltpu.VMEM_SHARED((N_PAD, D), jnp.float32),
            idx_s=pltpu.VMEM((NB, BLK), jnp.int32),
            idx_d=pltpu.VMEM((NB, BLK), jnp.int32),
            rows=pltpu.VMEM((NB, BLK, D), jnp.float32),
            sem_i=pltpu.SemaphoreType.DMA,
            sem_g=pltpu.SemaphoreType.DMA,
            sem_s=pltpu.SemaphoreType.DMA,
        ),
    )
    def k(xg_hbm, e_hbm, pads_hbm, padd_hbm, out_hbm, acc, idx_s, idx_d,
          rows, sem_i, sem_g, sem_s):
        c = lax.axis_index("c")
        s = lax.axis_index("s")
        w = c * NS + s

        def zrow(i, _):
            for j in range(D // 16):
                rows[0, i, pl.ds(j * 16, 16)] = jnp.zeros((16,), jnp.float32)
            return 0
        lax.fori_loop(0, BLK, zrow, 0)
        base = s * ROWS_PER_SUB
        off = 0
        for cnt in (128, 128, 128, 128, 120):
            pltpu.sync_copy(rows.at[0, pl.ds(0, cnt)],
                            acc.at[pl.ds(base + off, cnt)])
            off += cnt
        plsc.subcore_barrier()

        row0 = w * EPW_BLKS

        def wait_i():
            pltpu.make_async_copy(
                pads_hbm.at[0], idx_s.at[0], sem_i).wait()

        def wait_g():
            pltpu.make_async_copy(
                xg_hbm.at[idx_s.at[0]], rows.at[0], sem_g).wait()

        def wait_s():
            pltpu.make_async_copy(
                rows.at[0], acc.at[idx_d.at[0]], sem_s).wait()

        def stage_a(r, slot, first=False):
            if not first:
                wait_s()
            row = row0 + r

            def real(_):
                pltpu.async_copy(e_hbm.at[0, row], idx_s.at[slot], sem_i)
                pltpu.async_copy(e_hbm.at[1, row], idx_d.at[slot], sem_i)
                return 0

            def pad(_):
                prow = row - NBLK_REAL
                pltpu.async_copy(pads_hbm.at[prow], idx_s.at[slot], sem_i)
                pltpu.async_copy(padd_hbm.at[prow], idx_d.at[slot], sem_i)
                return 0

            lax.cond(row < NBLK_REAL, real, pad, 0)

        def stage_b(slot):
            wait_i()
            wait_i()
            pltpu.async_copy(
                xg_hbm.at[idx_s.at[slot]], rows.at[slot], sem_g)

        def stage_c(slot):
            wait_g()
            pltpu.make_async_copy(
                rows.at[slot], acc.at[idx_d.at[slot]],
                sem_s).start(add=True)

        stage_a(0, 0, first=True)
        stage_b(0)
        stage_a(1, 1, first=True)
        stage_b(1)
        stage_c(0)
        stage_a(2, 2, first=True)

        def body(g, _):
            r0 = 3 * g
            for b in range(3):
                stage_b((b + 2) % 3)
                stage_c((b + 1) % 3)
                stage_a(r0 + b, b)
            return 0
        lax.fori_loop(1, EPW_BLKS // 3, body, 0)

        stage_b(2)
        stage_c(1)
        stage_c(2)
        for _ in range(3):
            wait_s()
        plsc.subcore_barrier()

        off = 0
        for cnt in (128, 128, 128, 128, 120):
            pltpu.sync_copy(acc.at[pl.ds(base + off, cnt)],
                            out_hbm.at[c, pl.ds(base + off, cnt)])
            off += cnt

    return k(xg, e3, pad_s, pad_d)


def _tc_dense(p, x, W_rel, b_rel, W_root, gamma, beta):
    def body(p_ref, x_ref, wrel_ref, brel_ref, wroot_ref, g_ref, b_ref,
             o_ref):
        agg = p_ref[0, :N] + p_ref[1, :N]
        out = (
            jnp.dot(agg, wrel_ref[...].T, preferred_element_type=jnp.float32)
            + brel_ref[...][None, :]
            + jnp.dot(x_ref[...], wroot_ref[...].T,
                      preferred_element_type=jnp.float32)
        )
        mean = jnp.mean(out, axis=0)
        cen = out - mean[None, :]
        var = jnp.mean(cen * cen, axis=0)
        h = cen * lax.rsqrt(var + EPS) * g_ref[...][None, :] + b_ref[...][None, :]
        o_ref[...] = jnp.maximum(h, 0.0)

    return pl.pallas_call(
        body,
        out_shape=jax.ShapeDtypeStruct((N, D), jnp.float32),
    )(p, x, W_rel, b_rel, W_root, gamma, beta)


def kernel(x, edge_index, W_rel, b_rel, W_root, gamma, beta):
    e3 = edge_index.reshape(2, NBLK_REAL, BLK)
    i = lax.iota(jnp.int32, NBLK_PAD * BLK)
    pad_s = (i % BLK).reshape(NBLK_PAD, BLK)
    pad_d = (N + (i % (N_PAD - N))).reshape(NBLK_PAD, BLK)

    p = _sc_segment_sum(x, e3, pad_s, pad_d)
    return _tc_dense(p, x, W_rel, b_rel, W_root, gamma, beta)

# --- scband reference (transcript-rebuilt; emitter-appended) ---
"""Pipeline reference for scband-graph-conv-bn-46986942218275 (READ-ONLY COPY).

The authoritative reference and input builder live on the scoring server;
editing this copy changes nothing except your own understanding.
"""

import jax, jax.numpy as jnp
import numpy as np

N = 10000
E = 320000
D_IN = 128
D_OUT = 128
EPS = 1e-5


def setup_inputs(seed: int = 0) -> dict:
    key = jax.random.key(seed)
    k1, k2, k3, k4, k5, k6, k7 = jax.random.split(key, 7)
    x = jax.random.normal(k1, (N, D_IN), dtype=jnp.float32)
    edge_index = jax.random.randint(k2, (2, E), 0, N, dtype=jnp.int32)
    bound = 1.0 / np.sqrt(D_IN)
    # PyG GraphConv params: lin_rel (weight+bias) applied to aggregated neighbors,
    # lin_root (weight, no bias) applied to the node itself.
    W_rel = jax.random.uniform(k3, (D_OUT, D_IN), dtype=jnp.float32, minval=-bound, maxval=bound)
    b_rel = jax.random.uniform(k4, (D_OUT,), dtype=jnp.float32, minval=-bound, maxval=bound)
    W_root = jax.random.uniform(k5, (D_OUT, D_IN), dtype=jnp.float32, minval=-bound, maxval=bound)
    gamma = jnp.ones((D_OUT,), dtype=jnp.float32)
    beta = jnp.zeros((D_OUT,), dtype=jnp.float32)
    return {"x": x, "edge_index": edge_index, "W_rel": W_rel, "b_rel": b_rel,
            "W_root": W_root, "gamma": gamma, "beta": beta}


def reference(x, edge_index, W_rel, b_rel, W_root, gamma, beta):
    src = edge_index[0]
    dst = edge_index[1]
    # GraphConv (aggr='add'): gather source node features, scatter-add at destination
    msgs = jnp.take(x, src, axis=0)
    agg = jax.ops.segment_sum(msgs, dst, num_segments=N)
    out = agg @ W_rel.T + b_rel + x @ W_root.T
    # NodeLevelBatchNorm in training mode: batch stats over the node dimension
    mean = jnp.mean(out, axis=0)
    var = jnp.var(out, axis=0)  # biased variance, as used by F.batch_norm for normalization
    h = (out - mean) / jnp.sqrt(var + EPS) * gamma + beta
    return jax.nn.relu(h)

if __name__ == "__main__":
    import jax
    _d = setup_inputs()
    print(jax.jit(kernel)(*tuple(_d.values())))

</pallas_src>

<mosaic_0001>
#map = affine_map<(d0, d1) -> (0, 0)>
#map1 = affine_map<(d0, d1) -> (0, 0, 0)>
module attributes {stable_mosaic.version = 14 : i64} {
  func.func @k(%arg0: i32, %arg1: i32, %arg2: memref<10000x128xf32, #tpu.memory_space<hbm>>, %arg3: memref<2x2500x128xi32, #tpu.memory_space<hbm>>, %arg4: memref<92x128xi32, #tpu.memory_space<hbm>>, %arg5: memref<92x128xi32, #tpu.memory_space<hbm>>, %arg6: memref<2x10112x128xf32, #tpu.memory_space<hbm>>, %arg7: memref<10112x128xf32, #tpu.memory_space<vmem_shared>>, %arg8: memref<3x128xi32, #tpu.memory_space<vmem>>, %arg9: memref<3x128xi32, #tpu.memory_space<vmem>>, %arg10: memref<3x128x128xf32, #tpu.memory_space<vmem>>, %arg11: memref<!tpu.dma_semaphore, #tpu.memory_space<semaphore_mem>>, %arg12: memref<!tpu.dma_semaphore, #tpu.memory_space<semaphore_mem>>, %arg13: memref<!tpu.dma_semaphore, #tpu.memory_space<semaphore_mem>>) attributes {dimension_semantics = [#tpu.dimension_semantics<core_parallel>, #tpu.dimension_semantics<subcore_parallel>], iteration_bounds = array<i64: 2, 16>, scalar_prefetch = 0 : i64, scratch_operands = 7 : i64, tpu.core_type = #tpu.core_type<sc_vector_subcore>, window_params = [{transform_indices = #map}, {transform_indices = #map1}, {transform_indices = #map}, {transform_indices = #map}, {transform_indices = #map1}]} {
    %mul3A = arith.constant 16 : i32
    %mul3A_0 = arith.muli %arg0, %mul3A : i32
    %add3A = arith.addi %mul3A_0, %arg1 : i32
    %scan3A = arith.constant 0 : i32
    %scan3A_1 = arith.constant 0 : i32
    %scan3A_2 = arith.constant 128 : i32
    %scan3A_3 = arith.addi %scan3A_1, %scan3A_2 : i32
    %scan3A_4 = arith.constant 1 : i32
    %scan3A_5 = scf.for %scan3A_303 = %scan3A_1 to %scan3A_3 step %scan3A_4 iter_args(%scan3A_304 = %scan3A) -> (i32)  : i32 {
      %broadcast_in_dim3A = arith.constant 0.000000e+00 : f32
      %broadcast_in_dim3A_305 = vector.broadcast %broadcast_in_dim3A : f32 to vector<16xf32>
      %swap3A = arith.constant 0 : i32
      %swap3A_306 = arith.index_cast %swap3A : i32 to index
      %swap3A_307 = arith.index_cast %scan3A_303 : i32 to index
      %swap3A_308 = arith.constant 0 : index
      %swap3A_309 = tpu.vector_load %arg10[%swap3A_306, %swap3A_307, %swap3A_308] {strides = array<i32>} : memref<3x128x128xf32, #tpu.memory_space<vmem>>, vector<1x1x16xf32>,
      %swap3A_310 = vector.shape_cast %swap3A_309 : vector<1x1x16xf32> to vector<16xf32>
      %swap3A_311 = vector.shape_cast %broadcast_in_dim3A_305 : vector<16xf32> to vector<1x1x16xf32>
      tpu.vector_store %arg10[%swap3A_306, %swap3A_307, %swap3A_308], %swap3A_311 {strides = array<i32>} : memref<3x128x128xf32, #tpu.memory_space<vmem>>, vector<1x1x16xf32>,
      %broadcast_in_dim3A_312 = arith.constant 0.000000e+00 : f32
      %broadcast_in_dim3A_313 = vector.broadcast %broadcast_in_dim3A_312 : f32 to vector<16xf32>
      %swap3A_314 = arith.constant 0 : i32
      %swap3A_315 = arith.index_cast %swap3A_314 : i32 to index
      %swap3A_316 = arith.index_cast %scan3A_303 : i32 to index
      %swap3A_317 = arith.constant 16 : index
      %swap3A_318 = tpu.vector_load %arg10[%swap3A_315, %swap3A_316, %swap3A_317] {strides = array<i32>} : memref<3x128x128xf32, #tpu.memory_space<vmem>>, vector<1x1x16xf32>,
      %swap3A_319 = vector.shape_cast %swap3A_318 : vector<1x1x16xf32> to vector<16xf32>
      %swap3A_320 = vector.shape_cast %broadcast_in_dim3A_313 : vector<16xf32> to vector<1x1x16xf32>
      tpu.vector_store %arg10[%swap3A_315, %swap3A_316, %swap3A_317], %swap3A_320 {strides = array<i32>} : memref<3x128x128xf32, #tpu.memory_space<vmem>>, vector<1x1x16xf32>,
      %broadcast_in_dim3A_321 = arith.constant 0.000000e+00 : f32
      %broadcast_in_dim3A_322 = vector.broadcast %broadcast_in_dim3A_321 : f32 to vector<16xf32>
      %swap3A_323 = arith.constant 0 : i32
      %swap3A_324 = arith.index_cast %swap3A_323 : i32 to index
      %swap3A_325 = arith.index_cast %scan3A_303 : i32 to index
      %swap3A_326 = arith.constant 32 : index
      %swap3A_327 = tpu.vector_load %arg10[%swap3A_324, %swap3A_325, %swap3A_326] {strides = array<i32>} : memref<3x128x128xf32, #tpu.memory_space<vmem>>, vector<1x1x16xf32>,
      %swap3A_328 = vector.shape_cast %swap3A_327 : vector<1x1x16xf32> to vector<16xf32>
      %swap3A_329 = vector.shape_cast %broadcast_in_dim3A_322 : vector<16xf32> to vector<1x1x16xf32>
      tpu.vector_store %arg10[%swap3A_324, %swap3A_325, %swap3A_326], %swap3A_329 {strides = array<i32>} : memref<3x128x128xf32, #tpu.memory_space<vmem>>, vector<1x1x16xf32>,
      %broadcast_in_dim3A_330 = arith.constant 0.000000e+00 : f32
      %broadcast_in_dim3A_331 = vector.broadcast %broadcast_in_dim3A_330 : f32 to vector<16xf32>
      %swap3A_332 = arith.constant 0 : i32
      %swap3A_333 = arith.index_cast %swap3A_332 : i32 to index
      %swap3A_334 = arith.index_cast %scan3A_303 : i32 to index
      %swap3A_335 = arith.constant 48 : index
      %swap3A_336 = tpu.vector_load %arg10[%swap3A_333, %swap3A_334, %swap3A_335] {strides = array<i32>} : memref<3x128x128xf32, #tpu.memory_space<vmem>>, vector<1x1x16xf32>,
      %swap3A_337 = vector.shape_cast %swap3A_336 : vector<1x1x16xf32> to vector<16xf32>
      %swap3A_338 = vector.shape_cast %broadcast_in_dim3A_331 : vector<16xf32> to vector<1x1x16xf32>
      tpu.vector_store %arg10[%swap3A_333, %swap3A_334, %swap3A_335], %swap3A_338 {strides = array<i32>} : memref<3x128x128xf32, #tpu.memory_space<vmem>>, vector<1x1x16xf32>,
      %broadcast_in_dim3A_339 = arith.constant 0.000000e+00 : f32
      %broadcast_in_dim3A_340 = vector.broadcast %broadcast_in_dim3A_339 : f32 to vector<16xf32>
      %swap3A_341 = arith.constant 0 : i32
      %swap3A_342 = arith.index_cast %swap3A_341 : i32 to index
      %swap3A_343 = arith.index_cast %scan3A_303 : i32 to index
      %swap3A_344 = arith.constant 64 : index
      %swap3A_345 = tpu.vector_load %arg10[%swap3A_342, %swap3A_343, %swap3A_344] {strides = array<i32>} : memref<3x128x128xf32, #tpu.memory_space<vmem>>, vector<1x1x16xf32>,
      %swap3A_346 = vector.shape_cast %swap3A_345 : vector<1x1x16xf32> to vector<16xf32>
      %swap3A_347 = vector.shape_cast %broadcast_in_dim3A_340 : vector<16xf32> to vector<1x1x16xf32>
      tpu.vector_store %arg10[%swap3A_342, %swap3A_343, %swap3A_344], %swap3A_347 {strides = array<i32>} : memref<3x128x128xf32, #tpu.memory_space<vmem>>, vector<1x1x16xf32>,
      %broadcast_in_dim3A_348 = arith.constant 0.000000e+00 : f32
      %broadcast_in_dim3A_349 = vector.broadcast %broadcast_in_dim3A_348 : f32 to vector<16xf32>
      %swap3A_350 = arith.constant 0 : i32
      %swap3A_351 = arith.index_cast %swap3A_350 : i32 to index
      %swap3A_352 = arith.index_cast %scan3A_303 : i32 to index
      %swap3A_353 = arith.constant 80 : index
      %swap3A_354 = tpu.vector_load %arg10[%swap3A_351, %swap3A_352, %swap3A_353] {strides = array<i32>} : memref<3x128x128xf32, #tpu.memory_space<vmem>>, vector<1x1x16xf32>,
      %swap3A_355 = vector.shape_cast %swap3A_354 : vector<1x1x16xf32> to vector<16xf32>
      %swap3A_356 = vector.shape_cast %broadcast_in_dim3A_349 : vector<16xf32> to vector<1x1x16xf32>
      tpu.vector_store %arg10[%swap3A_351, %swap3A_352, %swap3A_353], %swap3A_356 {strides = array<i32>} : memref<3x128x128xf32, #tpu.memory_space<vmem>>, vector<1x1x16xf32>,
      %broadcast_in_dim3A_357 = arith.constant 0.000000e+00 : f32
      %broadcast_in_dim3A_358 = vector.broadcast %broadcast_in_dim3A_357 : f32 to vector<16xf32>
      %swap3A_359 = arith.constant 0 : i32
      %swap3A_360 = arith.index_cast %swap3A_359 : i32 to index
      %swap3A_361 = arith.index_cast %scan3A_303 : i32 to index
      %swap3A_362 = arith.constant 96 : index
      %swap3A_363 = tpu.vector_load %arg10[%swap3A_360, %swap3A_361, %swap3A_362] {strides = array<i32>} : memref<3x128x128xf32, #tpu.memory_space<vmem>>, vector<1x1x16xf32>,
      %swap3A_364 = vector.shape_cast %swap3A_363 : vector<1x1x16xf32> to vector<16xf32>
      %swap3A_365 = vector.shape_cast %broadcast_in_dim3A_358 : vector<16xf32> to vector<1x1x16xf32>
      tpu.vector_store %arg10[%swap3A_360, %swap3A_361, %swap3A_362], %swap3A_365 {strides = array<i32>} : memref<3x128x128xf32, #tpu.memory_space<vmem>>, vector<1x1x16xf32>,
      %broadcast_in_dim3A_366 = arith.constant 0.000000e+00 : f32
      %broadcast_in_dim3A_367 = vector.broadcast %broadcast_in_dim3A_366 : f32 to vector<16xf32>
      %swap3A_368 = arith.constant 0 : i32
      %swap3A_369 = arith.index_cast %swap3A_368 : i32 to index
      %swap3A_370 = arith.index_cast %scan3A_303 : i32 to index
      %swap3A_371 = arith.constant 112 : index
      %swap3A_372 = tpu.vector_load %arg10[%swap3A_369, %swap3A_370, %swap3A_371] {strides = array<i32>} : memref<3x128x128xf32, #tpu.memory_space<vmem>>, vector<1x1x16xf32>,
      %swap3A_373 = vector.shape_cast %swap3A_372 : vector<1x1x16xf32> to vector<16xf32>
      %swap3A_374 = vector.shape_cast %broadcast_in_dim3A_367 : vector<16xf32> to vector<1x1x16xf32>
      tpu.vector_store %arg10[%swap3A_369, %swap3A_370, %swap3A_371], %swap3A_374 {strides = array<i32>} : memref<3x128x128xf32, #tpu.memory_space<vmem>>, vector<1x1x16xf32>,
      %scan3A_375 = arith.constant 0 : i32
      scf.yield %scan3A_375 : i32
    }
    %scan3A_6 = arith.constant 128 : i32
    %mul3A_7 = arith.constant 632 : i32
    %mul3A_8 = arith.muli %arg1, %mul3A_7 : i32
    %add3A_9 = arith.constant 0 : i32
    %add3A_10 = arith.addi %mul3A_8, %add3A_9 : i32
    %run_scoped3A = arith.constant 0 : i32
    "tpu.region"() ({
      %run_scoped3A_303 = tpu.sem_alloc : memref<!tpu.dma_semaphore, #tpu.memory_space<semaphore_mem>>
      %dma_start3A_304 = arith.constant 0 : i32
      %dma_start3A_305 = arith.constant 0 : i32
      %dma_start3A_306 = tpu.memref_slice %arg10[%run_scoped3A, %dma_start3A_304, %dma_start3A_305] : memref<3x128x128xf32, #tpu.memory_space<vmem>> -> memref<1x128x128xf32, #tpu.memory_space<vmem>>
      %dma_start3A_307 = tpu.memref_squeeze %dma_start3A_306 : memref<1x128x128xf32, #tpu.memory_space<vmem>> -> memref<128x128xf32, #tpu.memory_space<vmem>>
      %dma_start3A_308 = arith.constant 0 : i32
      %dma_start3A_309 = tpu.memref_slice %arg7[%add3A_10, %dma_start3A_308] : memref<10112x128xf32, #tpu.memory_space<vmem_shared>> -> memref<128x128xf32, #tpu.memory_space<vmem_shared>>
      %dma_start3A_310 = arith.constant 0 : i32
      %dma_start3A_311 = tpu.memref_slice %arg7[%add3A_10, %dma_start3A_310] : memref<10112x128xf32, #tpu.memory_space<vmem_shared>> -> memref<128x128xf32, #tpu.memory_space<vmem_shared>>
      %dma_start3A_312 = arith.constant 0 : i32
      %dma_start3A_313 = arith.constant 0 : i32
      %dma_start3A_314 = tpu.memref_slice %arg10[%run_scoped3A, %dma_start3A_312, %dma_start3A_313] : memref<3x128x128xf32, #tpu.memory_space<vmem>> -> memref<1x128x128xf32, #tpu.memory_space<vmem>>
      %dma_start3A_315 = tpu.memref_squeeze %dma_start3A_314 : memref<1x128x128xf32, #tpu.memory_space<vmem>> -> memref<128x128xf32, #tpu.memory_space<vmem>>
      tpu.enqueue_dma source(%dma_start3A_315 : memref<128x128xf32, #tpu.memory_space<vmem>>) target(%dma_start3A_311 : memref<128x128xf32, #tpu.memory_space<vmem_shared>>) target_semaphore(%run_scoped3A_303 : memref<!tpu.dma_semaphore, #tpu.memory_space<semaphore_mem>>)
      %dma_wait3A_316 = arith.constant 0 : i32
      %dma_wait3A_317 = arith.constant 0 : i32
      %dma_wait3A_318 = tpu.memref_slice %arg10[%run_scoped3A, %dma_wait3A_316, %dma_wait3A_317] : memref<3x128x128xf32, #tpu.memory_space<vmem>> -> memref<1x128x128xf32, #tpu.memory_space<vmem>>
      %dma_wait3A_319 = tpu.memref_squeeze %dma_wait3A_318 : memref<1x128x128xf32, #tpu.memory_space<vmem>> -> memref<128x128xf32, #tpu.memory_space<vmem>>
      %dma_wait3A_320 = arith.constant 0 : i32
      %dma_wait3A_321 = tpu.memref_slice %arg7[%add3A_10, %dma_wait3A_320] : memref<10112x128xf32, #tpu.memory_space<vmem_shared>> -> memref<128x128xf32, #tpu.memory_space<vmem_shared>>
      %dma_wait3A_322 = arith.constant 0 : i32
      %dma_wait3A_323 = tpu.memref_slice %arg7[%add3A_10, %dma_wait3A_322] : memref<10112x128xf32, #tpu.memory_space<vmem_shared>> -> memref<128x128xf32, #tpu.memory_space<vmem_shared>>
      %dma_wait3A_324 = arith.constant 0 : i32
      %dma_wait3A_325 = arith.constant 0 : i32
      %dma_wait3A_326 = tpu.memref_slice %arg10[%run_scoped3A, %dma_wait3A_324, %dma_wait3A_325] : memref<3x128x128xf32, #tpu.memory_space<vmem>> -> memref<1x128x128xf32, #tpu.memory_space<vmem>>
      %dma_wait3A_327 = tpu.memref_squeeze %dma_wait3A_326 : memref<1x128x128xf32, #tpu.memory_space<vmem>> -> memref<128x128xf32, #tpu.memory_space<vmem>>
      tpu.wait_dma2 semaphore(%run_scoped3A_303 : memref<!tpu.dma_semaphore, #tpu.memory_space<semaphore_mem>>) src(%dma_wait3A_327 : memref<128x128xf32, #tpu.memory_space<vmem>>) dst(%dma_wait3A_323 : memref<128x128xf32, #tpu.memory_space<vmem_shared>>)
      tpu.yield
    }) : () -> ()
    %add3A_11 = arith.constant 128 : i32
    %add3A_12 = arith.addi %mul3A_8, %add3A_11 : i32
    %run_scoped3A_13 = arith.constant 0 : i32
    "tpu.region"() ({
      %run_scoped3A_303 = tpu.sem_alloc : memref<!tpu.dma_semaphore, #tpu.memory_space<semaphore_mem>>
      %dma_start3A_304 = arith.constant 0 : i32
      %dma_start3A_305 = arith.constant 0 : i32
      %dma_start3A_306 = tpu.memref_slice %arg10[%run_scoped3A_13, %dma_start3A_304, %dma_start3A_305] : memref<3x128x128xf32, #tpu.memory_space<vmem>> -> memref<1x128x128xf32, #tpu.memory_space<vmem>>
      %dma_start3A_307 = tpu.memref_squeeze %dma_start3A_306 : memref<1x128x128xf32, #tpu.memory_space<vmem>> -> memref<128x128xf32, #tpu.memory_space<vmem>>
      %dma_start3A_308 = arith.constant 0 : i32
      %dma_start3A_309 = tpu.memref_slice %arg7[%add3A_12, %dma_start3A_308] : memref<10112x128xf32, #tpu.memory_space<vmem_shared>> -> memref<128x128xf32, #tpu.memory_space<vmem_shared>>
      %dma_start3A_310 = arith.constant 0 : i32
      %dma_start3A_311 = tpu.memref_slice %arg7[%add3A_12, %dma_start3A_310] : memref<10112x128xf32, #tpu.memory_space<vmem_shared>> -> memref<128x128xf32, #tpu.memory_space<vmem_shared>>
      %dma_start3A_312 = arith.constant 0 : i32
      %dma_start3A_313 = arith.constant 0 : i32
      %dma_start3A_314 = tpu.memref_slice %arg10[%run_scoped3A_13, %dma_start3A_312, %dma_start3A_313] : memref<3x128x128xf32, #tpu.memory_space<vmem>> -> memref<1x128x128xf32, #tpu.memory_space<vmem>>
      %dma_start3A_315 = tpu.memref_squeeze %dma_start3A_314 : memref<1x128x128xf32, #tpu.memory_space<vmem>> -> memref<128x128xf32, #tpu.memory_space<vmem>>
      tpu.enqueue_dma source(%dma_start3A_315 : memref<128x128xf32, #tpu.memory_space<vmem>>) target(%dma_start3A_311 : memref<128x128xf32, #tpu.memory_space<vmem_shared>>) target_semaphore(%run_scoped3A_303 : memref<!tpu.dma_semaphore, #tpu.memory_space<semaphore_mem>>)
      %dma_wait3A_316 = arith.constant 0 : i32
      %dma_wait3A_317 = arith.constant 0 : i32
      %dma_wait3A_318 = tpu.memref_slice %arg10[%run_scoped3A_13, %dma_wait3A_316, %dma_wait3A_317] : memref<3x128x128xf32, #tpu.memory_space<vmem>> -> memref<1x128x128xf32, #tpu.memory_space<vmem>>
      %dma_wait3A_319 = tpu.memref_squeeze %dma_wait3A_318 : memref<1x128x128xf32, #tpu.memory_space<vmem>> -> memref<128x128xf32, #tpu.memory_space<vmem>>
      %dma_wait3A_320 = arith.constant 0 : i32
      %dma_wait3A_321 = tpu.memref_slice %arg7[%add3A_12, %dma_wait3A_320] : memref<10112x128xf32, #tpu.memory_space<vmem_shared>> -> memref<128x128xf32, #tpu.memory_space<vmem_shared>>
      %dma_wait3A_322 = arith.constant 0 : i32
      %dma_wait3A_323 = tpu.memref_slice %arg7[%add3A_12, %dma_wait3A_322] : memref<10112x128xf32, #tpu.memory_space<vmem_shared>> -> memref<128x128xf32, #tpu.memory_space<vmem_shared>>
      %dma_wait3A_324 = arith.constant 0 : i32
      %dma_wait3A_325 = arith.constant 0 : i32
      %dma_wait3A_326 = tpu.memref_slice %arg10[%run_scoped3A_13, %dma_wait3A_324, %dma_wait3A_325] : memref<3x128x128xf32, #tpu.memory_space<vmem>> -> memref<1x128x128xf32, #tpu.memory_space<vmem>>
      %dma_wait3A_327 = tpu.memref_squeeze %dma_wait3A_326 : memref<1x128x128xf32, #tpu.memory_space<vmem>> -> memref<128x128xf32, #tpu.memory_space<vmem>>
      tpu.wait_dma2 semaphore(%run_scoped3A_303 : memref<!tpu.dma_semaphore, #tpu.memory_space<semaphore_mem>>) src(%dma_wait3A_327 : memref<128x128xf32, #tpu.memory_space<vmem>>) dst(%dma_wait3A_323 : memref<128x128xf32, #tpu.memory_space<vmem_shared>>)
      tpu.yield
    }) : () -> ()
    %add3A_14 = arith.constant 256 : i32
    %add3A_15 = arith.addi %mul3A_8, %add3A_14 : i32
    %run_scoped3A_16 = arith.constant 0 : i32
    "tpu.region"() ({
      %run_scoped3A_303 = tpu.sem_alloc : memref<!tpu.dma_semaphore, #tpu.memory_space<semaphore_mem>>
      %dma_start3A_304 = arith.constant 0 : i32
      %dma_start3A_305 = arith.constant 0 : i32
      %dma_start3A_306 = tpu.memref_slice %arg10[%run_scoped3A_16, %dma_start3A_304, %dma_start3A_305] : memref<3x128x128xf32, #tpu.memory_space<vmem>> -> memref<1x128x128xf32, #tpu.memory_space<vmem>>
      %dma_start3A_307 = tpu.memref_squeeze %dma_start3A_306 : memref<1x128x128xf32, #tpu.memory_space<vmem>> -> memref<128x128xf32, #tpu.memory_space<vmem>>
      %dma_start3A_308 = arith.constant 0 : i32
      %dma_start3A_309 = tpu.memref_slice %arg7[%add3A_15, %dma_start3A_308] : memref<10112x128xf32, #tpu.memory_space<vmem_shared>> -> memref<128x128xf32, #tpu.memory_space<vmem_shared>>
      %dma_start3A_310 = arith.constant 0 : i32
      %dma_start3A_311 = tpu.memref_slice %arg7[%add3A_15, %dma_start3A_310] : memref<10112x128xf32, #tpu.memory_space<vmem_shared>> -> memref<128x128xf32, #tpu.memory_space<vmem_shared>>
      %dma_start3A_312 = arith.constant 0 : i32
      %dma_start3A_313 = arith.constant 0 : i32
      %dma_start3A_314 = tpu.memref_slice %arg10[%run_scoped3A_16, %dma_start3A_312, %dma_start3A_313] : memref<3x128x128xf32, #tpu.memory_space<vmem>> -> memref<1x128x128xf32, #tpu.memory_space<vmem>>
      %dma_start3A_315 = tpu.memref_squeeze %dma_start3A_314 : memref<1x128x128xf32, #tpu.memory_space<vmem>> -> memref<128x128xf32, #tpu.memory_space<vmem>>
      tpu.enqueue_dma source(%dma_start3A_315 : memref<128x128xf32, #tpu.memory_space<vmem>>) target(%dma_start3A_311 : memref<128x128xf32, #tpu.memory_space<vmem_shared>>) target_semaphore(%run_scoped3A_303 : memref<!tpu.dma_semaphore, #tpu.memory_space<semaphore_mem>>)
      %dma_wait3A_316 = arith.constant 0 : i32
      %dma_wait3A_317 = arith.constant 0 : i32
      %dma_wait3A_318 = tpu.memref_slice %arg10[%run_scoped3A_16, %dma_wait3A_316, %dma_wait3A_317] : memref<3x128x128xf32, #tpu.memory_space<vmem>> -> memref<1x128x128xf32, #tpu.memory_space<vmem>>
      %dma_wait3A_319 = tpu.memref_squeeze %dma_wait3A_318 : memref<1x128x128xf32, #tpu.memory_space<vmem>> -> memref<128x128xf32, #tpu.memory_space<vmem>>
      %dma_wait3A_320 = arith.constant 0 : i32
      %dma_wait3A_321 = tpu.memref_slice %arg7[%add3A_15, %dma_wait3A_320] : memref<10112x128xf32, #tpu.memory_space<vmem_shared>> -> memref<128x128xf32, #tpu.memory_space<vmem_shared>>
      %dma_wait3A_322 = arith.constant 0 : i32
      %dma_wait3A_323 = tpu.memref_slice %arg7[%add3A_15, %dma_wait3A_322] : memref<10112x128xf32, #tpu.memory_space<vmem_shared>> -> memref<128x128xf32, #tpu.memory_space<vmem_shared>>
      %dma_wait3A_324 = arith.constant 0 : i32
      %dma_wait3A_325 = arith.constant 0 : i32
      %dma_wait3A_326 = tpu.memref_slice %arg10[%run_scoped3A_16, %dma_wait3A_324, %dma_wait3A_325] : memref<3x128x128xf32, #tpu.memory_space<vmem>> -> memref<1x128x128xf32, #tpu.memory_space<vmem>>
      %dma_wait3A_327 = tpu.memref_squeeze %dma_wait3A_326 : memref<1x128x128xf32, #tpu.memory_space<vmem>> -> memref<128x128xf32, #tpu.memory_space<vmem>>
      tpu.wait_dma2 semaphore(%run_scoped3A_303 : memref<!tpu.dma_semaphore, #tpu.memory_space<semaphore_mem>>) src(%dma_wait3A_327 : memref<128x128xf32, #tpu.memory_space<vmem>>) dst(%dma_wait3A_323 : memref<128x128xf32, #tpu.memory_space<vmem_shared>>)
      tpu.yield
    }) : () -> ()
    %add3A_17 = arith.constant 384 : i32
    %add3A_18 = arith.addi %mul3A_8, %add3A_17 : i32
    %run_scoped3A_19 = arith.constant 0 : i32
    "tpu.region"() ({
      %run_scoped3A_303 = tpu.sem_alloc : memref<!tpu.dma_semaphore, #tpu.memory_space<semaphore_mem>>
      %dma_start3A_304 = arith.constant 0 : i32
      %dma_start3A_305 = arith.constant 0 : i32
      %dma_start3A_306 = tpu.memref_slice %arg10[%run_scoped3A_19, %dma_start3A_304, %dma_start3A_305] : memref<3x128x128xf32, #tpu.memory_space<vmem>> -> memref<1x128x128xf32, #tpu.memory_space<vmem>>
      %dma_start3A_307 = tpu.memref_squeeze %dma_start3A_306 : memref<1x128x128xf32, #tpu.memory_space<vmem>> -> memref<128x128xf32, #tpu.memory_space<vmem>>
      %dma_start3A_308 = arith.constant 0 : i32
      %dma_start3A_309 = tpu.memref_slice %arg7[%add3A_18, %dma_start3A_308] : memref<10112x128xf32, #tpu.memory_space<vmem_shared>> -> memref<128x128xf32, #tpu.memory_space<vmem_shared>>
      %dma_start3A_310 = arith.constant 0 : i32
      %dma_start3A_311 = tpu.memref_slice %arg7[%add3A_18, %dma_start3A_310] : memref<10112x128xf32, #tpu.memory_space<vmem_shared>> -> memref<128x128xf32, #tpu.memory_space<vmem_shared>>
      %dma_start3A_312 = arith.constant 0 : i32
      %dma_start3A_313 = arith.constant 0 : i32
      %dma_start3A_314 = tpu.memref_slice %arg10[%run_scoped3A_19, %dma_start3A_312, %dma_start3A_313] : memref<3x128x128xf32, #tpu.memory_space<vmem>> -> memref<1x128x128xf32, #tpu.memory_space<vmem>>
      %dma_start3A_315 = tpu.memref_squeeze %dma_start3A_314 : memref<1x128x128xf32, #tpu.memory_space<vmem>> -> memref<128x128xf32, #tpu.memory_space<vmem>>
      tpu.enqueue_dma source(%dma_start3A_315 : memref<128x128xf32, #tpu.memory_space<vmem>>) target(%dma_start3A_311 : memref<128x128xf32, #tpu.memory_space<vmem_shared>>) target_semaphore(%run_scoped3A_303 : memref<!tpu.dma_semaphore, #tpu.memory_space<semaphore_mem>>)
      %dma_wait3A_316 = arith.constant 0 : i32
      %dma_wait3A_317 = arith.constant 0 : i32
      %dma_wait3A_318 = tpu.memref_slice %arg10[%run_scoped3A_19, %dma_wait3A_316, %dma_wait3A_317] : memref<3x128x128xf32, #tpu.memory_space<vmem>> -> memref<1x128x128xf32, #tpu.memory_space<vmem>>
      %dma_wait3A_319 = tpu.memref_squeeze %dma_wait3A_318 : memref<1x128x128xf32, #tpu.memory_space<vmem>> -> memref<128x128xf32, #tpu.memory_space<vmem>>
      %dma_wait3A_320 = arith.constant 0 : i32
      %dma_wait3A_321 = tpu.memref_slice %arg7[%add3A_18, %dma_wait3A_320] : memref<10112x128xf32, #tpu.memory_space<vmem_shared>> -> memref<128x128xf32, #tpu.memory_space<vmem_shared>>
      %dma_wait3A_322 = arith.constant 0 : i32
      %dma_wait3A_323 = tpu.memref_slice %arg7[%add3A_18, %dma_wait3A_322] : memref<10112x128xf32, #tpu.memory_space<vmem_shared>> -> memref<128x128xf32, #tpu.memory_space<vmem_shared>>
      %dma_wait3A_324 = arith.constant 0 : i32
      %dma_wait3A_325 = arith.constant 0 : i32
      %dma_wait3A_326 = tpu.memref_slice %arg10[%run_scoped3A_19, %dma_wait3A_324, %dma_wait3A_325] : memref<3x128x128xf32, #tpu.memory_space<vmem>> -> memref<1x128x128xf32, #tpu.memory_space<vmem>>
      %dma_wait3A_327 = tpu.memref_squeeze %dma_wait3A_326 : memref<1x128x128xf32, #tpu.memory_space<vmem>> -> memref<128x128xf32, #tpu.memory_space<vmem>>
      tpu.wait_dma2 semaphore(%run_scoped3A_303 : memref<!tpu.dma_semaphore, #tpu.memory_space<semaphore_mem>>) src(%dma_wait3A_327 : memref<128x128xf32, #tpu.memory_space<vmem>>) dst(%dma_wait3A_323 : memref<128x128xf32, #tpu.memory_space<vmem_shared>>)
      tpu.yield
    }) : () -> ()
    %add3A_20 = arith.constant 512 : i32
    %add3A_21 = arith.addi %mul3A_8, %add3A_20 : i32
    %run_scoped3A_22 = arith.constant 0 : i32
    "tpu.region"() ({
      %run_scoped3A_303 = tpu.sem_alloc : memref<!tpu.dma_semaphore, #tpu.memory_space<semaphore_mem>>
      %dma_start3A_304 = arith.constant 0 : i32
      %dma_start3A_305 = arith.constant 0 : i32
      %dma_start3A_306 = tpu.memref_slice %arg10[%run_scoped3A_22, %dma_start3A_304, %dma_start3A_305] : memref<3x128x128xf32, #tpu.memory_space<vmem>> -> memref<1x120x128xf32, #tpu.memory_space<vmem>>
      %dma_start3A_307 = tpu.memref_squeeze %dma_start3A_306 : memref<1x120x128xf32, #tpu.memory_space<vmem>> -> memref<120x128xf32, #tpu.memory_space<vmem>>
      %dma_start3A_308 = arith.constant 0 : i32
      %dma_start3A_309 = tpu.memref_slice %arg7[%add3A_21, %dma_start3A_308] : memref<10112x128xf32, #tpu.memory_space<vmem_shared>> -> memref<120x128xf32, #tpu.memory_space<vmem_shared>>
      %dma_start3A_310 = arith.constant 0 : i32
      %dma_start3A_311 = tpu.memref_slice %arg7[%add3A_21, %dma_start3A_310] : memref<10112x128xf32, #tpu.memory_space<vmem_shared>> -> memref<120x128xf32, #tpu.memory_space<vmem_shared>>
      %dma_start3A_312 = arith.constant 0 : i32
      %dma_start3A_313 = arith.constant 0 : i32
      %dma_start3A_314 = tpu.memref_slice %arg10[%run_scoped3A_22, %dma_start3A_312, %dma_start3A_313] : memref<3x128x128xf32, #tpu.memory_space<vmem>> -> memref<1x120x128xf32, #tpu.memory_space<vmem>>
      %dma_start3A_315 = tpu.memref_squeeze %dma_start3A_314 : memref<1x120x128xf32, #tpu.memory_space<vmem>> -> memref<120x128xf32, #tpu.memory_space<vmem>>
      tpu.enqueue_dma source(%dma_start3A_315 : memref<120x128xf32, #tpu.memory_space<vmem>>) target(%dma_start3A_311 : memref<120x128xf32, #tpu.memory_space<vmem_shared>>) target_semaphore(%run_scoped3A_303 : memref<!tpu.dma_semaphore, #tpu.memory_space<semaphore_mem>>)
      %dma_wait3A_316 = arith.constant 0 : i32
      %dma_wait3A_317 = arith.constant 0 : i32
      %dma_wait3A_318 = tpu.memref_slice %arg10[%run_scoped3A_22, %dma_wait3A_316, %dma_wait3A_317] : memref<3x128x128xf32, #tpu.memory_space<vmem>> -> memref<1x120x128xf32, #tpu.memory_space<vmem>>
      %dma_wait3A_319 = tpu.memref_squeeze %dma_wait3A_318 : memref<1x120x128xf32, #tpu.memory_space<vmem>> -> memref<120x128xf32, #tpu.memory_space<vmem>>
      %dma_wait3A_320 = arith.constant 0 : i32
      %dma_wait3A_321 = tpu.memref_slice %arg7[%add3A_21, %dma_wait3A_320] : memref<10112x128xf32, #tpu.memory_space<vmem_shared>> -> memref<120x128xf32, #tpu.memory_space<vmem_shared>>
      %dma_wait3A_322 = arith.constant 0 : i32
      %dma_wait3A_323 = tpu.memref_slice %arg7[%add3A_21, %dma_wait3A_322] : memref<10112x128xf32, #tpu.memory_space<vmem_shared>> -> memref<120x128xf32, #tpu.memory_space<vmem_shared>>
      %dma_wait3A_324 = arith.constant 0 : i32
      %dma_wait3A_325 = arith.constant 0 : i32
      %dma_wait3A_326 = tpu.memref_slice %arg10[%run_scoped3A_22, %dma_wait3A_324, %dma_wait3A_325] : memref<3x128x128xf32, #tpu.memory_space<vmem>> -> memref<1x120x128xf32, #tpu.memory_space<vmem>>
      %dma_wait3A_327 = tpu.memref_squeeze %dma_wait3A_326 : memref<1x120x128xf32, #tpu.memory_space<vmem>> -> memref<120x128xf32, #tpu.memory_space<vmem>>
      tpu.wait_dma2 semaphore(%run_scoped3A_303 : memref<!tpu.dma_semaphore, #tpu.memory_space<semaphore_mem>>) src(%dma_wait3A_327 : memref<120x128xf32, #tpu.memory_space<vmem>>) dst(%dma_wait3A_323 : memref<120x128xf32, #tpu.memory_space<vmem_shared>>)
      tpu.yield
    }) : () -> ()
    %barrier3A = arith.constant 0 : index
    tpu.barrier barrier_id(%barrier3A)
    %mul3A_23 = arith.constant 81 : i32
    %mul3A_24 = arith.muli %add3A, %mul3A_23 : i32
    %add3A_25 = arith.constant 0 : i32
    %add3A_26 = arith.addi %mul3A_24, %add3A_25 : i32
    %lt3A = arith.constant 2500 : i32
    %lt3A_27 = arith.cmpi slt, %add3A_26, %lt3A : i32
    %convert_element_type3A = arith.extui %lt3A_27 : i1 to i32
    %cond3A = arith.constant 0 : i32
    %cond3A_28 = arith.constant 0 : i32
    %cond3A_29 = arith.cmpi ne, %convert_element_type3A, %cond3A_28 : i32
    %cond3A_30 = scf.if %cond3A_29 -> (i32) {
      %dma_start3A_303 = arith.constant 0 : i32
      %dma_start3A_304 = arith.constant 0 : i32
      %dma_start3A_305 = arith.constant 0 : i32
      %dma_start3A_306 = tpu.memref_slice %arg9[%dma_start3A_304, %dma_start3A_305] : memref<3x128xi32, #tpu.memory_space<vmem>> -> memref<1x128xi32, #tpu.memory_space<vmem>>
      %dma_start3A_307 = tpu.memref_squeeze %dma_start3A_306 : memref<1x128xi32, #tpu.memory_space<vmem>> -> memref<128xi32, #tpu.memory_space<vmem>>
      %dma_start3A_308 = arith.constant 0 : i32
      %dma_start3A_309 = tpu.memref_slice %arg3[%dma_start3A_303, %add3A_26, %dma_start3A_308] : memref<2x2500x128xi32, #tpu.memory_space<hbm>> -> memref<1x1x128xi32, #tpu.memory_space<hbm>>
      %dma_start3A_310 = tpu.memref_squeeze %dma_start3A_309 : memref<1x1x128xi32, #tpu.memory_space<hbm>> -> memref<128xi32, #tpu.memory_space<hbm>>
      %dma_start3A_311 = arith.constant 0 : i32
      %dma_start3A_312 = tpu.memref_slice %arg9[%dma_start3A_304, %dma_start3A_311] : memref<3x128xi32, #tpu.memory_space<vmem>> -> memref<1x128xi32, #tpu.memory_space<vmem>>
      %dma_start3A_313 = tpu.memref_squeeze %dma_start3A_312 : memref<1x128xi32, #tpu.memory_space<vmem>> -> memref<128xi32, #tpu.memory_space<vmem>>
      %dma_start3A_314 = arith.constant 0 : i32
      %dma_start3A_315 = tpu.memref_slice %arg3[%dma_start3A_303, %add3A_26, %dma_start3A_314] : memref<2x2500x128xi32, #tpu.memory_space<hbm>> -> memref<1x1x128xi32, #tpu.memory_space<hbm>>
      %dma_start3A_316 = tpu.memref_squeeze %dma_start3A_315 : memref<1x1x128xi32, #tpu.memory_space<hbm>> -> memref<128xi32, #tpu.memory_space<hbm>>
      tpu.enqueue_dma source(%dma_start3A_316 : memref<128xi32, #tpu.memory_space<hbm>>) target(%dma_start3A_313 : memref<128xi32, #tpu.memory_space<vmem>>) target_semaphore(%arg12 : memref<!tpu.dma_semaphore, #tpu.memory_space<semaphore_mem>>)
      %dma_start3A_317 = arith.constant 1 : i32
      %dma_start3A_318 = arith.constant 0 : i32
      %dma_start3A_319 = arith.constant 0 : i32
      %dma_start3A_320 = tpu.memref_slice %arg8[%dma_start3A_318, %dma_start3A_319] : memref<3x128xi32, #tpu.memory_space<vmem>> -> memref<1x128xi32, #tpu.memory_space<vmem>>
      %dma_start3A_321 = tpu.memref_squeeze %dma_start3A_320 : memref<1x128xi32, #tpu.memory_space<vmem>> -> memref<128xi32, #tpu.memory_space<vmem>>
      %dma_start3A_322 = arith.constant 0 : i32
      %dma_start3A_323 = tpu.memref_slice %arg3[%dma_start3A_317, %add3A_26, %dma_start3A_322] : memref<2x2500x128xi32, #tpu.memory_space<hbm>> -> memref<1x1x128xi32, #tpu.memory_space<hbm>>
      %dma_start3A_324 = tpu.memref_squeeze %dma_start3A_323 : memref<1x1x128xi32, #tpu.memory_space<hbm>> -> memref<128xi32, #tpu.memory_space<hbm>>
      %dma_start3A_325 = arith.constant 0 : i32
      %dma_start3A_326 = tpu.memref_slice %arg8[%dma_start3A_318, %dma_start3A_325] : memref<3x128xi32, #tpu.memory_space<vmem>> -> memref<1x128xi32, #tpu.memory_space<vmem>>
      %dma_start3A_327 = tpu.memref_squeeze %dma_start3A_326 : memref<1x128xi32, #tpu.memory_space<vmem>> -> memref<128xi32, #tpu.memory_space<vmem>>
      %dma_start3A_328 = arith.constant 0 : i32
      %dma_start3A_329 = tpu.memref_slice %arg3[%dma_start3A_317, %add3A_26, %dma_start3A_328] : memref<2x2500x128xi32, #tpu.memory_space<hbm>> -> memref<1x1x128xi32, #tpu.memory_space<hbm>>
      %dma_start3A_330 = tpu.memref_squeeze %dma_start3A_329 : memref<1x1x128xi32, #tpu.memory_space<hbm>> -> memref<128xi32, #tpu.memory_space<hbm>>
      tpu.enqueue_dma source(%dma_start3A_330 : memref<128xi32, #tpu.memory_space<hbm>>) target(%dma_start3A_327 : memref<128xi32, #tpu.memory_space<vmem>>) target_semaphore(%arg12 : memref<!tpu.dma_semaphore, #tpu.memory_space<semaphore_mem>>)
      %cond3A_331 = arith.constant 0 : i32
      scf.yield %cond3A_331 : i32
    } else {
      %sub3A = arith.constant 2500 : i32
      %sub3A_303 = arith.subi %add3A_26, %sub3A : i32
      %dma_start3A_304 = arith.constant 0 : i32
      %dma_start3A_305 = arith.constant 0 : i32
      %dma_start3A_306 = tpu.memref_slice %arg9[%dma_start3A_304, %dma_start3A_305] : memref<3x128xi32, #tpu.memory_space<vmem>> -> memref<1x128xi32, #tpu.memory_space<vmem>>
      %dma_start3A_307 = tpu.memref_squeeze %dma_start3A_306 : memref<1x128xi32, #tpu.memory_space<vmem>> -> memref<128xi32, #tpu.memory_space<vmem>>
      %dma_start3A_308 = arith.constant 0 : i32
      %dma_start3A_309 = tpu.memref_slice %arg4[%sub3A_303, %dma_start3A_308] : memref<92x128xi32, #tpu.memory_space<hbm>> -> memref<1x128xi32, #tpu.memory_space<hbm>>
      %dma_start3A_310 = tpu.memref_squeeze %dma_start3A_309 : memref<1x128xi32, #tpu.memory_space<hbm>> -> memref<128xi32, #tpu.memory_space<hbm>>
      %dma_start3A_311 = arith.constant 0 : i32
      %dma_start3A_312 = tpu.memref_slice %arg9[%dma_start3A_304, %dma_start3A_311] : memref<3x128xi32, #tpu.memory_space<vmem>> -> memref<1x128xi32, #tpu.memory_space<vmem>>
      %dma_start3A_313 = tpu.memref_squeeze %dma_start3A_312 : memref<1x128xi32, #tpu.memory_space<vmem>> -> memref<128xi32, #tpu.memory_space<vmem>>
      %dma_start3A_314 = arith.constant 0 : i32
      %dma_start3A_315 = tpu.memref_slice %arg4[%sub3A_303, %dma_start3A_314] : memref<92x128xi32, #tpu.memory_space<hbm>> -> memref<1x128xi32, #tpu.memory_space<hbm>>
      %dma_start3A_316 = tpu.memref_squeeze %dma_start3A_315 : memref<1x128xi32, #tpu.memory_space<hbm>> -> memref<128xi32, #tpu.memory_space<hbm>>
      tpu.enqueue_dma source(%dma_start3A_316 : memref<128xi32, #tpu.memory_space<hbm>>) target(%dma_start3A_313 : memref<128xi32, #tpu.memory_space<vmem>>) target_semaphore(%arg12 : memref<!tpu.dma_semaphore, #tpu.memory_space<semaphore_mem>>)
      %dma_start3A_317 = arith.constant 0 : i32
      %dma_start3A_318 = arith.constant 0 : i32
      %dma_start3A_319 = tpu.memref_slice %arg8[%dma_start3A_317, %dma_start3A_318] : memref<3x128xi32, #tpu.memory_space<vmem>> -> memref<1x128xi32, #tpu.memory_space<vmem>>
      %dma_start3A_320 = tpu.memref_squeeze %dma_start3A_319 : memref<1x128xi32, #tpu.memory_space<vmem>> -> memref<128xi32, #tpu.memory_space<vmem>>
      %dma_start3A_321 = arith.constant 0 : i32
      %dma_start3A_322 = tpu.memref_slice %arg5[%sub3A_303, %dma_start3A_321] : memref<92x128xi32, #tpu.memory_space<hbm>> -> memref<1x128xi32, #tpu.memory_space<hbm>>
      %dma_start3A_323 = tpu.memref_squeeze %dma_start3A_322 : memref<1x128xi32, #tpu.memory_space<hbm>> -> memref<128xi32, #tpu.memory_space<hbm>>
      %dma_start3A_324 = arith.constant 0 : i32
      %dma_start3A_325 = tpu.memref_slice %arg8[%dma_start3A_317, %dma_start3A_324] : memref<3x128xi32, #tpu.memory_space<vmem>> -> memref<1x128xi32, #tpu.memory_space<vmem>>
      %dma_start3A_326 = tpu.memref_squeeze %dma_start3A_325 : memref<1x128xi32, #tpu.memory_space<vmem>> -> memref<128xi32, #tpu.memory_space<vmem>>
      %dma_start3A_327 = arith.constant 0 : i32
      %dma_start3A_328 = tpu.memref_slice %arg5[%sub3A_303, %dma_start3A_327] : memref<92x128xi32, #tpu.memory_space<hbm>> -> memref<1x128xi32, #tpu.memory_space<hbm>>
      %dma_start3A_329 = tpu.memref_squeeze %dma_start3A_328 : memref<1x128xi32, #tpu.memory_space<hbm>> -> memref<128xi32, #tpu.memory_space<hbm>>
      tpu.enqueue_dma source(%dma_start3A_329 : memref<128xi32, #tpu.memory_space<hbm>>) target(%dma_start3A_326 : memref<128xi32, #tpu.memory_space<vmem>>) target_semaphore(%arg12 : memref<!tpu.dma_semaphore, #tpu.memory_space<semaphore_mem>>)
      %cond3A_330 = arith.constant 0 : i32
      scf.yield %cond3A_330 : i32
    }
    %dma_wait3A = arith.constant 0 : i32
    %dma_wait3A_31 = arith.constant 0 : i32
    %dma_wait3A_32 = arith.constant 0 : i32
    %dma_wait3A_33 = tpu.memref_slice %arg9[%dma_wait3A_31, %dma_wait3A_32] : memref<3x128xi32, #tpu.memory_space<vmem>> -> memref<1x128xi32, #tpu.memory_space<vmem>>
    %dma_wait3A_34 = tpu.memref_squeeze %dma_wait3A_33 : memref<1x128xi32, #tpu.memory_space<vmem>> -> memref<128xi32, #tpu.memory_space<vmem>>
    %dma_wait3A_35 = arith.constant 0 : i32
    %dma_wait3A_36 = tpu.memref_slice %arg4[%dma_wait3A, %dma_wait3A_35] : memref<92x128xi32, #tpu.memory_space<hbm>> -> memref<1x128xi32, #tpu.memory_space<hbm>>
    %dma_wait3A_37 = tpu.memref_squeeze %dma_wait3A_36 : memref<1x128xi32, #tpu.memory_space<hbm>> -> memref<128xi32, #tpu.memory_space<hbm>>
    %dma_wait3A_38 = arith.constant 0 : i32
    %dma_wait3A_39 = tpu.memref_slice %arg9[%dma_wait3A_31, %dma_wait3A_38] : memref<3x128xi32, #tpu.memory_space<vmem>> -> memref<1x128xi32, #tpu.memory_space<vmem>>
    %dma_wait3A_40 = tpu.memref_squeeze %dma_wait3A_39 : memref<1x128xi32, #tpu.memory_space<vmem>> -> memref<128xi32, #tpu.memory_space<vmem>>
    %dma_wait3A_41 = arith.constant 0 : i32
    %dma_wait3A_42 = tpu.memref_slice %arg4[%dma_wait3A, %dma_wait3A_41] : memref<92x128xi32, #tpu.memory_space<hbm>> -> memref<1x128xi32, #tpu.memory_space<hbm>>
    %dma_wait3A_43 = tpu.memref_squeeze %dma_wait3A_42 : memref<1x128xi32, #tpu.memory_space<hbm>> -> memref<128xi32, #tpu.memory_space<hbm>>
    tpu.wait_dma2 semaphore(%arg12 : memref<!tpu.dma_semaphore, #tpu.memory_space<semaphore_mem>>) src(%dma_wait3A_43 : memref<128xi32, #tpu.memory_space<hbm>>) dst(%dma_wait3A_40 : memref<128xi32, #tpu.memory_space<vmem>>)
    %dma_wait3A_44 = arith.constant 0 : i32
    %dma_wait3A_45 = arith.constant 0 : i32
    %dma_wait3A_46 = arith.constant 0 : i32
    %dma_wait3A_47 = tpu.memref_slice %arg9[%dma_wait3A_45, %dma_wait3A_46] : memref<3x128xi32, #tpu.memory_space<vmem>> -> memref<1x128xi32, #tpu.memory_space<vmem>>
    %dma_wait3A_48 = tpu.memref_squeeze %dma_wait3A_47 : memref<1x128xi32, #tpu.memory_space<vmem>> -> memref<128xi32, #tpu.memory_space<vmem>>
    %dma_wait3A_49 = arith.constant 0 : i32
    %dma_wait3A_50 = tpu.memref_slice %arg4[%dma_wait3A_44, %dma_wait3A_49] : memref<92x128xi32, #tpu.memory_space<hbm>> -> memref<1x128xi32, #tpu.memory_space<hbm>>
    %dma_wait3A_51 = tpu.memref_squeeze %dma_wait3A_50 : memref<1x128xi32, #tpu.memory_space<hbm>> -> memref<128xi32, #tpu.memory_space<hbm>>
    %dma_wait3A_52 = arith.constant 0 : i32
    %dma_wait3A_53 = tpu.memref_slice %arg9[%dma_wait3A_45, %dma_wait3A_52] : memref<3x128xi32, #tpu.memory_space<vmem>> -> memref<1x128xi32, #tpu.memory_space<vmem>>
    %dma_wait3A_54 = tpu.memref_squeeze %dma_wait3A_53 : memref<1x128xi32, #tpu.memory_space<vmem>> -> memref<128xi32, #tpu.memory_space<vmem>>
    %dma_wait3A_55 = arith.constant 0 : i32
    %dma_wait3A_56 = tpu.memref_slice %arg4[%dma_wait3A_44, %dma_wait3A_55] : memref<92x128xi32, #tpu.memory_space<hbm>> -> memref<1x128xi32, #tpu.memory_space<hbm>>
    %dma_wait3A_57 = tpu.memref_squeeze %dma_wait3A_56 : memref<1x128xi32, #tpu.memory_space<hbm>> -> memref<128xi32, #tpu.memory_space<hbm>>
    tpu.wait_dma2 semaphore(%arg12 : memref<!tpu.dma_semaphore, #tpu.memory_space<semaphore_mem>>) src(%dma_wait3A_57 : memref<128xi32, #tpu.memory_space<hbm>>) dst(%dma_wait3A_54 : memref<128xi32, #tpu.memory_space<vmem>>)
    %dma_start3A = arith.constant 0 : i32
    %dma_start3A_58 = arith.constant 0 : i32
    %dma_start3A_59 = arith.constant 0 : i32
    %dma_start3A_60 = arith.constant 0 : i32
    %dma_start3A_61 = tpu.memref_slice %arg10[%dma_start3A_58, %dma_start3A_59, %dma_start3A_60] : memref<3x128x128xf32, #tpu.memory_space<vmem>> -> memref<1x128x128xf32, #tpu.memory_space<vmem>>
    %dma_start3A_62 = tpu.memref_squeeze %dma_start3A_61 : memref<1x128x128xf32, #tpu.memory_space<vmem>> -> memref<128x128xf32, #tpu.memory_space<vmem>>
    %dma_start3A_63 = arith.constant 0 : i32
    %dma_start3A_64 = tpu.memref_slice %arg9[%dma_start3A, %dma_start3A_63] : memref<3x128xi32, #tpu.memory_space<vmem>> -> memref<1x128xi32, #tpu.memory_space<vmem>>
    %dma_start3A_65 = tpu.memref_squeeze %dma_start3A_64 : memref<1x128xi32, #tpu.memory_space<vmem>> -> memref<128xi32, #tpu.memory_space<vmem>>
    %dma_start3A_66 = arith.constant 0 : i32
    %dma_start3A_67 = arith.constant 0 : i32
    %dma_start3A_68 = tpu.memref_slice %arg2[%dma_start3A_66, %dma_start3A_67] : memref<10000x128xf32, #tpu.memory_space<hbm>> -> memref<10000x128xf32, #tpu.memory_space<hbm>>
    tpu.enqueue_indirect_dma source(%dma_start3A_68 : memref<10000x128xf32, #tpu.memory_space<hbm>>) target(%dma_start3A_62 : memref<128x128xf32, #tpu.memory_space<vmem>>) offsets(%dma_start3A_65 : memref<128xi32, #tpu.memory_space<vmem>>) semaphore(%arg11 : memref<!tpu.dma_semaphore, #tpu.memory_space<semaphore_mem>>)
    %add3A_69 = arith.constant 1 : i32
    %add3A_70 = arith.addi %mul3A_24, %add3A_69 : i32
    %lt3A_71 = arith.constant 2500 : i32
    %lt3A_72 = arith.cmpi slt, %add3A_70, %lt3A_71 : i32
    %convert_element_type3A_73 = arith.extui %lt3A_72 : i1 to i32
    %cond3A_74 = arith.constant 0 : i32
    %cond3A_75 = arith.constant 0 : i32
    %cond3A_76 = arith.cmpi ne, %convert_element_type3A_73, %cond3A_75 : i32
    %cond3A_77 = scf.if %cond3A_76 -> (i32) {
      %dma_start3A_303 = arith.constant 0 : i32
      %dma_start3A_304 = arith.constant 1 : i32
      %dma_start3A_305 = arith.constant 0 : i32
      %dma_start3A_306 = tpu.memref_slice %arg9[%dma_start3A_304, %dma_start3A_305] : memref<3x128xi32, #tpu.memory_space<vmem>> -> memref<1x128xi32, #tpu.memory_space<vmem>>
      %dma_start3A_307 = tpu.memref_squeeze %dma_start3A_306 : memref<1x128xi32, #tpu.memory_space<vmem>> -> memref<128xi32, #tpu.memory_space<vmem>>
      %dma_start3A_308 = arith.constant 0 : i32
      %dma_start3A_309 = tpu.memref_slice %arg3[%dma_start3A_303, %add3A_70, %dma_start3A_308] : memref<2x2500x128xi32, #tpu.memory_space<hbm>> -> memref<1x1x128xi32, #tpu.memory_space<hbm>>
      %dma_start3A_310 = tpu.memref_squeeze %dma_start3A_309 : memref<1x1x128xi32, #tpu.memory_space<hbm>> -> memref<128xi32, #tpu.memory_space<hbm>>
      %dma_start3A_311 = arith.constant 0 : i32
      %dma_start3A_312 = tpu.memref_slice %arg9[%dma_start3A_304, %dma_start3A_311] : memref<3x128xi32, #tpu.memory_space<vmem>> -> memref<1x128xi32, #tpu.memory_space<vmem>>
      %dma_start3A_313 = tpu.memref_squeeze %dma_start3A_312 : memref<1x128xi32, #tpu.memory_space<vmem>> -> memref<128xi32, #tpu.memory_space<vmem>>
      %dma_start3A_314 = arith.constant 0 : i32
      %dma_start3A_315 = tpu.memref_slice %arg3[%dma_start3A_303, %add3A_70, %dma_start3A_314] : memref<2x2500x128xi32, #tpu.memory_space<hbm>> -> memref<1x1x128xi32, #tpu.memory_space<hbm>>
      %dma_start3A_316 = tpu.memref_squeeze %dma_start3A_315 : memref<1x1x128xi32, #tpu.memory_space<hbm>> -> memref<128xi32, #tpu.memory_space<hbm>>
      tpu.enqueue_dma source(%dma_start3A_316 : memref<128xi32, #tpu.memory_space<hbm>>) target(%dma_start3A_313 : memref<128xi32, #tpu.memory_space<vmem>>) target_semaphore(%arg12 : memref<!tpu.dma_semaphore, #tpu.memory_space<semaphore_mem>>)
      %dma_start3A_317 = arith.constant 1 : i32
      %dma_start3A_318 = arith.constant 1 : i32
      %dma_start3A_319 = arith.constant 0 : i32
      %dma_start3A_320 = tpu.memref_slice %arg8[%dma_start3A_318, %dma_start3A_319] : memref<3x128xi32, #tpu.memory_space<vmem>> -> memref<1x128xi32, #tpu.memory_space<vmem>>
      %dma_start3A_321 = tpu.memref_squeeze %dma_start3A_320 : memref<1x128xi32, #tpu.memory_space<vmem>> -> memref<128xi32, #tpu.memory_space<vmem>>
      %dma_start3A_322 = arith.constant 0 : i32
      %dma_start3A_323 = tpu.memref_slice %arg3[%dma_start3A_317, %add3A_70, %dma_start3A_322] : memref<2x2500x128xi32, #tpu.memory_space<hbm>> -> memref<1x1x128xi32, #tpu.memory_space<hbm>>
      %dma_start3A_324 = tpu.memref_squeeze %dma_start3A_323 : memref<1x1x128xi32, #tpu.memory_space<hbm>> -> memref<128xi32, #tpu.memory_space<hbm>>
      %dma_start3A_325 = arith.constant 0 : i32
      %dma_start3A_326 = tpu.memref_slice %arg8[%dma_start3A_318, %dma_start3A_325] : memref<3x128xi32, #tpu.memory_space<vmem>> -> memref<1x128xi32, #tpu.memory_space<vmem>>
      %dma_start3A_327 = tpu.memref_squeeze %dma_start3A_326 : memref<1x128xi32, #tpu.memory_space<vmem>> -> memref<128xi32, #tpu.memory_space<vmem>>
      %dma_start3A_328 = arith.constant 0 : i32
      %dma_start3A_329 = tpu.memref_slice %arg3[%dma_start3A_317, %add3A_70, %dma_start3A_328] : memref<2x2500x128xi32, #tpu.memory_space<hbm>> -> memref<1x1x128xi32, #tpu.memory_space<hbm>>
      %dma_start3A_330 = tpu.memref_squeeze %dma_start3A_329 : memref<1x1x128xi32, #tpu.memory_space<hbm>> -> memref<128xi32, #tpu.memory_space<hbm>>
      tpu.enqueue_dma source(%dma_start3A_330 : memref<128xi32, #tpu.memory_space<hbm>>) target(%dma_start3A_327 : memref<128xi32, #tpu.memory_space<vmem>>) target_semaphore(%arg12 : memref<!tpu.dma_semaphore, #tpu.memory_space<semaphore_mem>>)
      %cond3A_331 = arith.constant 0 : i32
      scf.yield %cond3A_331 : i32
    } else {
      %sub3A = arith.constant 2500 : i32
      %sub3A_303 = arith.subi %add3A_70, %sub3A : i32
      %dma_start3A_304 = arith.constant 1 : i32
      %dma_start3A_305 = arith.constant 0 : i32
      %dma_start3A_306 = tpu.memref_slice %arg9[%dma_start3A_304, %dma_start3A_305] : memref<3x128xi32, #tpu.memory_space<vmem>> -> memref<1x128xi32, #tpu.memory_space<vmem>>
      %dma_start3A_307 = tpu.memref_squeeze %dma_start3A_306 : memref<1x128xi32, #tpu.memory_space<vmem>> -> memref<128xi32, #tpu.memory_space<vmem>>
      %dma_start3A_308 = arith.constant 0 : i32
      %dma_start3A_309 = tpu.memref_slice %arg4[%sub3A_303, %dma_start3A_308] : memref<92x128xi32, #tpu.memory_space<hbm>> -> memref<1x128xi32, #tpu.memory_space<hbm>>
      %dma_start3A_310 = tpu.memref_squeeze %dma_start3A_309 : memref<1x128xi32, #tpu.memory_space<hbm>> -> memref<128xi32, #tpu.memory_space<hbm>>
      %dma_start3A_311 = arith.constant 0 : i32
      %dma_start3A_312 = tpu.memref_slice %arg9[%dma_start3A_304, %dma_start3A_311] : memref<3x128xi32, #tpu.memory_space<vmem>> -> memref<1x128xi32, #tpu.memory_space<vmem>>
      %dma_start3A_313 = tpu.memref_squeeze %dma_start3A_312 : memref<1x128xi32, #tpu.memory_space<vmem>> -> memref<128xi32, #tpu.memory_space<vmem>>
      %dma_start3A_314 = arith.constant 0 : i32
      %dma_start3A_315 = tpu.memref_slice %arg4[%sub3A_303, %dma_start3A_314] : memref<92x128xi32, #tpu.memory_space<hbm>> -> memref<1x128xi32, #tpu.memory_space<hbm>>
      %dma_start3A_316 = tpu.memref_squeeze %dma_start3A_315 : memref<1x128xi32, #tpu.memory_space<hbm>> -> memref<128xi32, #tpu.memory_space<hbm>>
      tpu.enqueue_dma source(%dma_start3A_316 : memref<128xi32, #tpu.memory_space<hbm>>) target(%dma_start3A_313 : memref<128xi32, #tpu.memory_space<vmem>>) target_semaphore(%arg12 : memref<!tpu.dma_semaphore, #tpu.memory_space<semaphore_mem>>)
      %dma_start3A_317 = arith.constant 1 : i32
      %dma_start3A_318 = arith.constant 0 : i32
      %dma_start3A_319 = tpu.memref_slice %arg8[%dma_start3A_317, %dma_start3A_318] : memref<3x128xi32, #tpu.memory_space<vmem>> -> memref<1x128xi32, #tpu.memory_space<vmem>>
      %dma_start3A_320 = tpu.memref_squeeze %dma_start3A_319 : memref<1x128xi32, #tpu.memory_space<vmem>> -> memref<128xi32, #tpu.memory_space<vmem>>
      %dma_start3A_321 = arith.constant 0 : i32
      %dma_start3A_322 = tpu.memref_slice %arg5[%sub3A_303, %dma_start3A_321] : memref<92x128xi32, #tpu.memory_space<hbm>> -> memref<1x128xi32, #tpu.memory_space<hbm>>
      %dma_start3A_323 = tpu.memref_squeeze %dma_start3A_322 : memref<1x128xi32, #tpu.memory_space<hbm>> -> memref<128xi32, #tpu.memory_space<hbm>>
      %dma_start3A_324 = arith.constant 0 : i32
      %dma_start3A_325 = tpu.memref_slice %arg8[%dma_start3A_317, %dma_start3A_324] : memref<3x128xi32, #tpu.memory_space<vmem>> -> memref<1x128xi32, #tpu.memory_space<vmem>>
      %dma_start3A_326 = tpu.memref_squeeze %dma_start3A_325 : memref<1x128xi32, #tpu.memory_space<vmem>> -> memref<128xi32, #tpu.memory_space<vmem>>
      %dma_start3A_327 = arith.constant 0 : i32
      %dma_start3A_328 = tpu.memref_slice %arg5[%sub3A_303, %dma_start3A_327] : memref<92x128xi32, #tpu.memory_space<hbm>> -> memref<1x128xi32, #tpu.memory_space<hbm>>
      %dma_start3A_329 = tpu.memref_squeeze %dma_start3A_328 : memref<1x128xi32, #tpu.memory_space<hbm>> -> memref<128xi32, #tpu.memory_space<hbm>>
      tpu.enqueue_dma source(%dma_start3A_329 : memref<128xi32, #tpu.memory_space<hbm>>) target(%dma_start3A_326 : memref<128xi32, #tpu.memory_space<vmem>>) target_semaphore(%arg12 : memref<!tpu.dma_semaphore, #tpu.memory_space<semaphore_mem>>)
      %cond3A_330 = arith.constant 0 : i32
      scf.yield %cond3A_330 : i32
    }
    %dma_wait3A_78 = arith.constant 0 : i32
    %dma_wait3A_79 = arith.constant 0 : i32
    %dma_wait3A_80 = arith.constant 0 : i32
    %dma_wait3A_81 = tpu.memref_slice %arg9[%dma_wait3A_79, %dma_wait3A_80] : memref<3x128xi32, #tpu.memory_space<vmem>> -> memref<1x128xi32, #tpu.memory_space<vmem>>
    %dma_wait3A_82 = tpu.memref_squeeze %dma_wait3A_81 : memref<1x128xi32, #tpu.memory_space<vmem>> -> memref<128xi32, #tpu.memory_space<vmem>>
    %dma_wait3A_83 = arith.constant 0 : i32
    %dma_wait3A_84 = tpu.memref_slice %arg4[%dma_wait3A_78, %dma_wait3A_83] : memref<92x128xi32, #tpu.memory_space<hbm>> -> memref<1x128xi32, #tpu.memory_space<hbm>>
    %dma_wait3A_85 = tpu.memref_squeeze %dma_wait3A_84 : memref<1x128xi32, #tpu.memory_space<hbm>> -> memref<128xi32, #tpu.memory_space<hbm>>
    %dma_wait3A_86 = arith.constant 0 : i32
    %dma_wait3A_87 = tpu.memref_slice %arg9[%dma_wait3A_79, %dma_wait3A_86] : memref<3x128xi32, #tpu.memory_space<vmem>> -> memref<1x128xi32, #tpu.memory_space<vmem>>
    %dma_wait3A_88 = tpu.memref_squeeze %dma_wait3A_87 : memref<1x128xi32, #tpu.memory_space<vmem>> -> memref<128xi32, #tpu.memory_space<vmem>>
    %dma_wait3A_89 = arith.constant 0 : i32
    %dma_wait3A_90 = tpu.memref_slice %arg4[%dma_wait3A_78, %dma_wait3A_89] : memref<92x128xi32, #tpu.memory_space<hbm>> -> memref<1x128xi32, #tpu.memory_space<hbm>>
    %dma_wait3A_91 = tpu.memref_squeeze %dma_wait3A_90 : memref<1x128xi32, #tpu.memory_space<hbm>> -> memref<128xi32, #tpu.memory_space<hbm>>
    tpu.wait_dma2 semaphore(%arg12 : memref<!tpu.dma_semaphore, #tpu.memory_space<semaphore_mem>>) src(%dma_wait3A_91 : memref<128xi32, #tpu.memory_space<hbm>>) dst(%dma_wait3A_88 : memref<128xi32, #tpu.memory_space<vmem>>)
    %dma_wait3A_92 = arith.constant 0 : i32
    %dma_wait3A_93 = arith.constant 0 : i32
    %dma_wait3A_94 = arith.constant 0 : i32
    %dma_wait3A_95 = tpu.memref_slice %arg9[%dma_wait3A_93, %dma_wait3A_94] : memref<3x128xi32, #tpu.memory_space<vmem>> -> memref<1x128xi32, #tpu.memory_space<vmem>>
    %dma_wait3A_96 = tpu.memref_squeeze %dma_wait3A_95 : memref<1x128xi32, #tpu.memory_space<vmem>> -> memref<128xi32, #tpu.memory_space<vmem>>
    %dma_wait3A_97 = arith.constant 0 : i32
    %dma_wait3A_98 = tpu.memref_slice %arg4[%dma_wait3A_92, %dma_wait3A_97] : memref<92x128xi32, #tpu.memory_space<hbm>> -> memref<1x128xi32, #tpu.memory_space<hbm>>
    %dma_wait3A_99 = tpu.memref_squeeze %dma_wait3A_98 : memref<1x128xi32, #tpu.memory_space<hbm>> -> memref<128xi32, #tpu.memory_space<hbm>>
    %dma_wait3A_100 = arith.constant 0 : i32
    %dma_wait3A_101 = tpu.memref_slice %arg9[%dma_wait3A_93, %dma_wait3A_100] : memref<3x128xi32, #tpu.memory_space<vmem>> -> memref<1x128xi32, #tpu.memory_space<vmem>>
    %dma_wait3A_102 = tpu.memref_squeeze %dma_wait3A_101 : memref<1x128xi32, #tpu.memory_space<vmem>> -> memref<128xi32, #tpu.memory_space<vmem>>
    %dma_wait3A_103 = arith.constant 0 : i32
    %dma_wait3A_104 = tpu.memref_slice %arg4[%dma_wait3A_92, %dma_wait3A_103] : memref<92x128xi32, #tpu.memory_space<hbm>> -> memref<1x128xi32, #tpu.memory_space<hbm>>
    %dma_wait3A_105 = tpu.memref_squeeze %dma_wait3A_104 : memref<1x128xi32, #tpu.memory_space<hbm>> -> memref<128xi32, #tpu.memory_space<hbm>>
    tpu.wait_dma2 semaphore(%arg12 : memref<!tpu.dma_semaphore, #tpu.memory_space<semaphore_mem>>) src(%dma_wait3A_105 : memref<128xi32, #tpu.memory_space<hbm>>) dst(%dma_wait3A_102 : memref<128xi32, #tpu.memory_space<vmem>>)
    %dma_start3A_106 = arith.constant 1 : i32
    %dma_start3A_107 = arith.constant 1 : i32
    %dma_start3A_108 = arith.constant 0 : i32
    %dma_start3A_109 = arith.constant 0 : i32
    %dma_start3A_110 = tpu.memref_slice %arg10[%dma_start3A_107, %dma_start3A_108, %dma_start3A_109] : memref<3x128x128xf32, #tpu.memory_space<vmem>> -> memref<1x128x128xf32, #tpu.memory_space<vmem>>
    %dma_start3A_111 = tpu.memref_squeeze %dma_start3A_110 : memref<1x128x128xf32, #tpu.memory_space<vmem>> -> memref<128x128xf32, #tpu.memory_space<vmem>>
    %dma_start3A_112 = arith.constant 0 : i32
    %dma_start3A_113 = tpu.memref_slice %arg9[%dma_start3A_106, %dma_start3A_112] : memref<3x128xi32, #tpu.memory_space<vmem>> -> memref<1x128xi32, #tpu.memory_space<vmem>>
    %dma_start3A_114 = tpu.memref_squeeze %dma_start3A_113 : memref<1x128xi32, #tpu.memory_space<vmem>> -> memref<128xi32, #tpu.memory_space<vmem>>
    %dma_start3A_115 = arith.constant 0 : i32
    %dma_start3A_116 = arith.constant 0 : i32
    %dma_start3A_117 = tpu.memref_slice %arg2[%dma_start3A_115, %dma_start3A_116] : memref<10000x128xf32, #tpu.memory_space<hbm>> -> memref<10000x128xf32, #tpu.memory_space<hbm>>
    tpu.enqueue_indirect_dma source(%dma_start3A_117 : memref<10000x128xf32, #tpu.memory_space<hbm>>) target(%dma_start3A_111 : memref<128x128xf32, #tpu.memory_space<vmem>>) offsets(%dma_start3A_114 : memref<128xi32, #tpu.memory_space<vmem>>) semaphore(%arg11 : memref<!tpu.dma_semaphore, #tpu.memory_space<semaphore_mem>>)
    %dma_wait3A_118 = arith.constant 0 : i32
    %dma_wait3A_119 = arith.constant 0 : i32
    %dma_wait3A_120 = arith.constant 0 : i32
    %dma_wait3A_121 = arith.constant 0 : i32
    %dma_wait3A_122 = tpu.memref_slice %arg10[%dma_wait3A_119, %dma_wait3A_120, %dma_wait3A_121] : memref<3x128x128xf32, #tpu.memory_space<vmem>> -> memref<1x128x128xf32, #tpu.memory_space<vmem>>
    %dma_wait3A_123 = tpu.memref_squeeze %dma_wait3A_122 : memref<1x128x128xf32, #tpu.memory_space<vmem>> -> memref<128x128xf32, #tpu.memory_space<vmem>>
    %dma_wait3A_124 = arith.constant 0 : i32
    %dma_wait3A_125 = tpu.memref_slice %arg9[%dma_wait3A_118, %dma_wait3A_124] : memref<3x128xi32, #tpu.memory_space<vmem>> -> memref<1x128xi32, #tpu.memory_space<vmem>>
    %dma_wait3A_126 = tpu.memref_squeeze %dma_wait3A_125 : memref<1x128xi32, #tpu.memory_space<vmem>> -> memref<128xi32, #tpu.memory_space<vmem>>
    %dma_wait3A_127 = arith.constant 0 : i32
    %dma_wait3A_128 = arith.constant 0 : i32
    %dma_wait3A_129 = tpu.memref_slice %arg2[%dma_wait3A_127, %dma_wait3A_128] : memref<10000x128xf32, #tpu.memory_space<hbm>> -> memref<10000x128xf32, #tpu.memory_space<hbm>>
    tpu.wait_indirect_dma semaphore(%arg11 : memref<!tpu.dma_semaphore, #tpu.memory_space<semaphore_mem>>) src(%dma_wait3A_129 : memref<10000x128xf32, #tpu.memory_space<hbm>>) dst(%dma_wait3A_123 : memref<128x128xf32, #tpu.memory_space<vmem>>)
    %dma_start3A_130 = arith.constant 0 : i32
    %dma_start3A_131 = arith.constant 0 : i32
    %dma_start3A_132 = arith.constant 0 : i32
    %dma_start3A_133 = arith.constant 0 : i32
    %dma_start3A_134 = tpu.memref_slice %arg10[%dma_start3A_130, %dma_start3A_132, %dma_start3A_133] : memref<3x128x128xf32, #tpu.memory_space<vmem>> -> memref<1x128x128xf32, #tpu.memory_space<vmem>>
    %dma_start3A_135 = tpu.memref_squeeze %dma_start3A_134 : memref<1x128x128xf32, #tpu.memory_space<vmem>> -> memref<128x128xf32, #tpu.memory_space<vmem>>
    %dma_start3A_136 = arith.constant 0 : i32
    %dma_start3A_137 = tpu.memref_slice %arg8[%dma_start3A_131, %dma_start3A_136] : memref<3x128xi32, #tpu.memory_space<vmem>> -> memref<1x128xi32, #tpu.memory_space<vmem>>
    %dma_start3A_138 = tpu.memref_squeeze %dma_start3A_137 : memref<1x128xi32, #tpu.memory_space<vmem>> -> memref<128xi32, #tpu.memory_space<vmem>>
    %dma_start3A_139 = arith.constant 0 : i32
    %dma_start3A_140 = arith.constant 0 : i32
    %dma_start3A_141 = tpu.memref_slice %arg7[%dma_start3A_139, %dma_start3A_140] : memref<10112x128xf32, #tpu.memory_space<vmem_shared>> -> memref<10112x128xf32, #tpu.memory_space<vmem_shared>>
    tpu.enqueue_indirect_dma source(%dma_start3A_135 : memref<128x128xf32, #tpu.memory_space<vmem>>) target(%dma_start3A_141 : memref<10112x128xf32, #tpu.memory_space<vmem_shared>>) offsets(%dma_start3A_138 : memref<128xi32, #tpu.memory_space<vmem>>) semaphore(%arg13 : memref<!tpu.dma_semaphore, #tpu.memory_space<semaphore_mem>>) {add = true}
    %add3A_142 = arith.constant 2 : i32
    %add3A_143 = arith.addi %mul3A_24, %add3A_142 : i32
    %lt3A_144 = arith.constant 2500 : i32
    %lt3A_145 = arith.cmpi slt, %add3A_143, %lt3A_144 : i32
    %convert_element_type3A_146 = arith.extui %lt3A_145 : i1 to i32
    %cond3A_147 = arith.constant 0 : i32
    %cond3A_148 = arith.constant 0 : i32
    %cond3A_149 = arith.cmpi ne, %convert_element_type3A_146, %cond3A_148 : i32
    %cond3A_150 = scf.if %cond3A_149 -> (i32) {
      %dma_start3A_303 = arith.constant 0 : i32
      %dma_start3A_304 = arith.constant 2 : i32
      %dma_start3A_305 = arith.constant 0 : i32
      %dma_start3A_306 = tpu.memref_slice %arg9[%dma_start3A_304, %dma_start3A_305] : memref<3x128xi32, #tpu.memory_space<vmem>> -> memref<1x128xi32, #tpu.memory_space<vmem>>
      %dma_start3A_307 = tpu.memref_squeeze %dma_start3A_306 : memref<1x128xi32, #tpu.memory_space<vmem>> -> memref<128xi32, #tpu.memory_space<vmem>>
      %dma_start3A_308 = arith.constant 0 : i32
      %dma_start3A_309 = tpu.memref_slice %arg3[%dma_start3A_303, %add3A_143, %dma_start3A_308] : memref<2x2500x128xi32, #tpu.memory_space<hbm>> -> memref<1x1x128xi32, #tpu.memory_space<hbm>>
      %dma_start3A_310 = tpu.memref_squeeze %dma_start3A_309 : memref<1x1x128xi32, #tpu.memory_space<hbm>> -> memref<128xi32, #tpu.memory_space<hbm>>
      %dma_start3A_311 = arith.constant 0 : i32
      %dma_start3A_312 = tpu.memref_slice %arg9[%dma_start3A_304, %dma_start3A_311] : memref<3x128xi32, #tpu.memory_space<vmem>> -> memref<1x128xi32, #tpu.memory_space<vmem>>
      %dma_start3A_313 = tpu.memref_squeeze %dma_start3A_312 : memref<1x128xi32, #tpu.memory_space<vmem>> -> memref<128xi32, #tpu.memory_space<vmem>>
      %dma_start3A_314 = arith.constant 0 : i32
      %dma_start3A_315 = tpu.memref_slice %arg3[%dma_start3A_303, %add3A_143, %dma_start3A_314] : memref<2x2500x128xi32, #tpu.memory_space<hbm>> -> memref<1x1x128xi32, #tpu.memory_space<hbm>>
      %dma_start3A_316 = tpu.memref_squeeze %dma_start3A_315 : memref<1x1x128xi32, #tpu.memory_space<hbm>> -> memref<128xi32, #tpu.memory_space<hbm>>
      tpu.enqueue_dma source(%dma_start3A_316 : memref<128xi32, #tpu.memory_space<hbm>>) target(%dma_start3A_313 : memref<128xi32, #tpu.memory_space<vmem>>) target_semaphore(%arg12 : memref<!tpu.dma_semaphore, #tpu.memory_space<semaphore_mem>>)
      %dma_start3A_317 = arith.constant 1 : i32
      %dma_start3A_318 = arith.constant 2 : i32
      %dma_start3A_319 = arith.constant 0 : i32
      %dma_start3A_320 = tpu.memref_slice %arg8[%dma_start3A_318, %dma_start3A_319] : memref<3x128xi32, #tpu.memory_space<vmem>> -> memref<1x128xi32, #tpu.memory_space<vmem>>
      %dma_start3A_321 = tpu.memref_squeeze %dma_start3A_320 : memref<1x128xi32, #tpu.memory_space<vmem>> -> memref<128xi32, #tpu.memory_space<vmem>>
      %dma_start3A_322 = arith.constant 0 : i32
      %dma_start3A_323 = tpu.memref_slice %arg3[%dma_start3A_317, %add3A_143, %dma_start3A_322] : memref<2x2500x128xi32, #tpu.memory_space<hbm>> -> memref<1x1x128xi32, #tpu.memory_space<hbm>>
      %dma_start3A_324 = tpu.memref_squeeze %dma_start3A_323 : memref<1x1x128xi32, #tpu.memory_space<hbm>> -> memref<128xi32, #tpu.memory_space<hbm>>
      %dma_start3A_325 = arith.constant 0 : i32
      %dma_start3A_326 = tpu.memref_slice %arg8[%dma_start3A_318, %dma_start3A_325] : memref<3x128xi32, #tpu.memory_space<vmem>> -> memref<1x128xi32, #tpu.memory_space<vmem>>
      %dma_start3A_327 = tpu.memref_squeeze %dma_start3A_326 : memref<1x128xi32, #tpu.memory_space<vmem>> -> memref<128xi32, #tpu.memory_space<vmem>>
      %dma_start3A_328 = arith.constant 0 : i32
      %dma_start3A_329 = tpu.memref_slice %arg3[%dma_start3A_317, %add3A_143, %dma_start3A_328] : memref<2x2500x128xi32, #tpu.memory_space<hbm>> -> memref<1x1x128xi32, #tpu.memory_space<hbm>>
      %dma_start3A_330 = tpu.memref_squeeze %dma_start3A_329 : memref<1x1x128xi32, #tpu.memory_space<hbm>> -> memref<128xi32, #tpu.memory_space<hbm>>
      tpu.enqueue_dma source(%dma_start3A_330 : memref<128xi32, #tpu.memory_space<hbm>>) target(%dma_start3A_327 : memref<128xi32, #tpu.memory_space<vmem>>) target_semaphore(%arg12 : memref<!tpu.dma_semaphore, #tpu.memory_space<semaphore_mem>>)
      %cond3A_331 = arith.constant 0 : i32
      scf.yield %cond3A_331 : i32
    } else {
      %sub3A = arith.constant 2500 : i32
      %sub3A_303 = arith.subi %add3A_143, %sub3A : i32
      %dma_start3A_304 = arith.constant 2 : i32
      %dma_start3A_305 = arith.constant 0 : i32
      %dma_start3A_306 = tpu.memref_slice %arg9[%dma_start3A_304, %dma_start3A_305] : memref<3x128xi32, #tpu.memory_space<vmem>> -> memref<1x128xi32, #tpu.memory_space<vmem>>
      %dma_start3A_307 = tpu.memref_squeeze %dma_start3A_306 : memref<1x128xi32, #tpu.memory_space<vmem>> -> memref<128xi32, #tpu.memory_space<vmem>>
      %dma_start3A_308 = arith.constant 0 : i32
      %dma_start3A_309 = tpu.memref_slice %arg4[%sub3A_303, %dma_start3A_308] : memref<92x128xi32, #tpu.memory_space<hbm>> -> memref<1x128xi32, #tpu.memory_space<hbm>>
      %dma_start3A_310 = tpu.memref_squeeze %dma_start3A_309 : memref<1x128xi32, #tpu.memory_space<hbm>> -> memref<128xi32, #tpu.memory_space<hbm>>
      %dma_start3A_311 = arith.constant 0 : i32
      %dma_start3A_312 = tpu.memref_slice %arg9[%dma_start3A_304, %dma_start3A_311] : memref<3x128xi32, #tpu.memory_space<vmem>> -> memref<1x128xi32, #tpu.memory_space<vmem>>
      %dma_start3A_313 = tpu.memref_squeeze %dma_start3A_312 : memref<1x128xi32, #tpu.memory_space<vmem>> -> memref<128xi32, #tpu.memory_space<vmem>>
      %dma_start3A_314 = arith.constant 0 : i32
      %dma_start3A_315 = tpu.memref_slice %arg4[%sub3A_303, %dma_start3A_314] : memref<92x128xi32, #tpu.memory_space<hbm>> -> memref<1x128xi32, #tpu.memory_space<hbm>>
      %dma_start3A_316 = tpu.memref_squeeze %dma_start3A_315 : memref<1x128xi32, #tpu.memory_space<hbm>> -> memref<128xi32, #tpu.memory_space<hbm>>
      tpu.enqueue_dma source(%dma_start3A_316 : memref<128xi32, #tpu.memory_space<hbm>>) target(%dma_start3A_313 : memref<128xi32, #tpu.memory_space<vmem>>) target_semaphore(%arg12 : memref<!tpu.dma_semaphore, #tpu.memory_space<semaphore_mem>>)
      %dma_start3A_317 = arith.constant 2 : i32
      %dma_start3A_318 = arith.constant 0 : i32
      %dma_start3A_319 = tpu.memref_slice %arg8[%dma_start3A_317, %dma_start3A_318] : memref<3x128xi32, #tpu.memory_space<vmem>> -> memref<1x128xi32, #tpu.memory_space<vmem>>
      %dma_start3A_320 = tpu.memref_squeeze %dma_start3A_319 : memref<1x128xi32, #tpu.memory_space<vmem>> -> memref<128xi32, #tpu.memory_space<vmem>>
      %dma_start3A_321 = arith.constant 0 : i32
      %dma_start3A_322 = tpu.memref_slice %arg5[%sub3A_303, %dma_start3A_321] : memref<92x128xi32, #tpu.memory_space<hbm>> -> memref<1x128xi32, #tpu.memory_space<hbm>>
      %dma_start3A_323 = tpu.memref_squeeze %dma_start3A_322 : memref<1x128xi32, #tpu.memory_space<hbm>> -> memref<128xi32, #tpu.memory_space<hbm>>
      %dma_start3A_324 = arith.constant 0 : i32
      %dma_start3A_325 = tpu.memref_slice %arg8[%dma_start3A_317, %dma_start3A_324] : memref<3x128xi32, #tpu.memory_space<vmem>> -> memref<1x128xi32, #tpu.memory_space<vmem>>
      %dma_start3A_326 = tpu.memref_squeeze %dma_start3A_325 : memref<1x128xi32, #tpu.memory_space<vmem>> -> memref<128xi32, #tpu.memory_space<vmem>>
      %dma_start3A_327 = arith.constant 0 : i32
      %dma_start3A_328 = tpu.memref_slice %arg5[%sub3A_303, %dma_start3A_327] : memref<92x128xi32, #tpu.memory_space<hbm>> -> memref<1x128xi32, #tpu.memory_space<hbm>>
      %dma_start3A_329 = tpu.memref_squeeze %dma_start3A_328 : memref<1x128xi32, #tpu.memory_space<hbm>> -> memref<128xi32, #tpu.memory_space<hbm>>
      tpu.enqueue_dma source(%dma_start3A_329 : memref<128xi32, #tpu.memory_space<hbm>>) target(%dma_start3A_326 : memref<128xi32, #tpu.memory_space<vmem>>) target_semaphore(%arg12 : memref<!tpu.dma_semaphore, #tpu.memory_space<semaphore_mem>>)
      %cond3A_330 = arith.constant 0 : i32
      scf.yield %cond3A_330 : i32
    }
    %scan3A_151 = arith.constant 0 : i32
    %scan3A_152 = arith.constant 1 : i32
    %scan3A_153 = arith.constant 26 : i32
    %scan3A_154 = arith.addi %scan3A_152, %scan3A_153 : i32
    %scan3A_155 = arith.constant 1 : i32
    %scan3A_156 = scf.for %scan3A_303 = %scan3A_152 to %scan3A_154 step %scan3A_155 iter_args(%scan3A_304 = %scan3A_151) -> (i32)  : i32 {
      %mul3A_305 = arith.constant 3 : i32
      %mul3A_306 = arith.muli %mul3A_305, %scan3A_303 : i32
      %dma_wait3A_307 = arith.constant 0 : i32
      %dma_wait3A_308 = arith.constant 0 : i32
      %dma_wait3A_309 = arith.constant 0 : i32
      %dma_wait3A_310 = tpu.memref_slice %arg9[%dma_wait3A_308, %dma_wait3A_309] : memref<3x128xi32, #tpu.memory_space<vmem>> -> memref<1x128xi32, #tpu.memory_space<vmem>>
      %dma_wait3A_311 = tpu.memref_squeeze %dma_wait3A_310 : memref<1x128xi32, #tpu.memory_space<vmem>> -> memref<128xi32, #tpu.memory_space<vmem>>
      %dma_wait3A_312 = arith.constant 0 : i32
      %dma_wait3A_313 = tpu.memref_slice %arg4[%dma_wait3A_307, %dma_wait3A_312] : memref<92x128xi32, #tpu.memory_space<hbm>> -> memref<1x128xi32, #tpu.memory_space<hbm>>
      %dma_wait3A_314 = tpu.memref_squeeze %dma_wait3A_313 : memref<1x128xi32, #tpu.memory_space<hbm>> -> memref<128xi32, #tpu.memory_space<hbm>>
      %dma_wait3A_315 = arith.constant 0 : i32
      %dma_wait3A_316 = tpu.memref_slice %arg9[%dma_wait3A_308, %dma_wait3A_315] : memref<3x128xi32, #tpu.memory_space<vmem>> -> memref<1x128xi32, #tpu.memory_space<vmem>>
      %dma_wait3A_317 = tpu.memref_squeeze %dma_wait3A_316 : memref<1x128xi32, #tpu.memory_space<vmem>> -> memref<128xi32, #tpu.memory_space<vmem>>
      %dma_wait3A_318 = arith.constant 0 : i32
      %dma_wait3A_319 = tpu.memref_slice %arg4[%dma_wait3A_307, %dma_wait3A_318] : memref<92x128xi32, #tpu.memory_space<hbm>> -> memref<1x128xi32, #tpu.memory_space<hbm>>
      %dma_wait3A_320 = tpu.memref_squeeze %dma_wait3A_319 : memref<1x128xi32, #tpu.memory_space<hbm>> -> memref<128xi32, #tpu.memory_space<hbm>>
      tpu.wait_dma2 semaphore(%arg12 : memref<!tpu.dma_semaphore, #tpu.memory_space<semaphore_mem>>) src(%dma_wait3A_320 : memref<128xi32, #tpu.memory_space<hbm>>) dst(%dma_wait3A_317 : memref<128xi32, #tpu.memory_space<vmem>>)
      %dma_wait3A_321 = arith.constant 0 : i32
      %dma_wait3A_322 = arith.constant 0 : i32
      %dma_wait3A_323 = arith.constant 0 : i32
      %dma_wait3A_324 = tpu.memref_slice %arg9[%dma_wait3A_322, %dma_wait3A_323] : memref<3x128xi32, #tpu.memory_space<vmem>> -> memref<1x128xi32, #tpu.memory_space<vmem>>
      %dma_wait3A_325 = tpu.memref_squeeze %dma_wait3A_324 : memref<1x128xi32, #tpu.memory_space<vmem>> -> memref<128xi32, #tpu.memory_space<vmem>>
      %dma_wait3A_326 = arith.constant 0 : i32
      %dma_wait3A_327 = tpu.memref_slice %arg4[%dma_wait3A_321, %dma_wait3A_326] : memref<92x128xi32, #tpu.memory_space<hbm>> -> memref<1x128xi32, #tpu.memory_space<hbm>>
      %dma_wait3A_328 = tpu.memref_squeeze %dma_wait3A_327 : memref<1x128xi32, #tpu.memory_space<hbm>> -> memref<128xi32, #tpu.memory_space<hbm>>
      %dma_wait3A_329 = arith.constant 0 : i32
      %dma_wait3A_330 = tpu.memref_slice %arg9[%dma_wait3A_322, %dma_wait3A_329] : memref<3x128xi32, #tpu.memory_space<vmem>> -> memref<1x128xi32, #tpu.memory_space<vmem>>
      %dma_wait3A_331 = tpu.memref_squeeze %dma_wait3A_330 : memref<1x128xi32, #tpu.memory_space<vmem>> -> memref<128xi32, #tpu.memory_space<vmem>>
      %dma_wait3A_332 = arith.constant 0 : i32
      %dma_wait3A_333 = tpu.memref_slice %arg4[%dma_wait3A_321, %dma_wait3A_332] : memref<92x128xi32, #tpu.memory_space<hbm>> -> memref<1x128xi32, #tpu.memory_space<hbm>>
      %dma_wait3A_334 = tpu.memref_squeeze %dma_wait3A_333 : memref<1x128xi32, #tpu.memory_space<hbm>> -> memref<128xi32, #tpu.memory_space<hbm>>
      tpu.wait_dma2 semaphore(%arg12 : memref<!tpu.dma_semaphore, #tpu.memory_space<semaphore_mem>>) src(%dma_wait3A_334 : memref<128xi32, #tpu.memory_space<hbm>>) dst(%dma_wait3A_331 : memref<128xi32, #tpu.memory_space<vmem>>)
      %dma_start3A_335 = arith.constant 2 : i32
      %dma_start3A_336 = arith.constant 2 : i32
      %dma_start3A_337 = arith.constant 0 : i32
      %dma_start3A_338 = arith.constant 0 : i32
      %dma_start3A_339 = tpu.memref_slice %arg10[%dma_start3A_336, %dma_start3A_337, %dma_start3A_338] : memref<3x128x128xf32, #tpu.memory_space<vmem>> -> memref<1x128x128xf32, #tpu.memory_space<vmem>>
      %dma_start3A_340 = tpu.memref_squeeze %dma_start3A_339 : memref<1x128x128xf32, #tpu.memory_space<vmem>> -> memref<128x128xf32, #tpu.memory_space<vmem>>
      %dma_start3A_341 = arith.constant 0 : i32
      %dma_start3A_342 = tpu.memref_slice %arg9[%dma_start3A_335, %dma_start3A_341] : memref<3x128xi32, #tpu.memory_space<vmem>> -> memref<1x128xi32, #tpu.memory_space<vmem>>
      %dma_start3A_343 = tpu.memref_squeeze %dma_start3A_342 : memref<1x128xi32, #tpu.memory_space<vmem>> -> memref<128xi32, #tpu.memory_space<vmem>>
      %dma_start3A_344 = arith.constant 0 : i32
      %dma_start3A_345 = arith.constant 0 : i32
      %dma_start3A_346 = tpu.memref_slice %arg2[%dma_start3A_344, %dma_start3A_345] : memref<10000x128xf32, #tpu.memory_space<hbm>> -> memref<10000x128xf32, #tpu.memory_space<hbm>>
      tpu.enqueue_indirect_dma source(%dma_start3A_346 : memref<10000x128xf32, #tpu.memory_space<hbm>>) target(%dma_start3A_340 : memref<128x128xf32, #tpu.memory_space<vmem>>) offsets(%dma_start3A_343 : memref<128xi32, #tpu.memory_space<vmem>>) semaphore(%arg11 : memref<!tpu.dma_semaphore, #tpu.memory_space<semaphore_mem>>)
      %dma_wait3A_347 = arith.constant 0 : i32
      %dma_wait3A_348 = arith.constant 0 : i32
      %dma_wait3A_349 = arith.constant 0 : i32
      %dma_wait3A_350 = arith.constant 0 : i32
      %dma_wait3A_351 = tpu.memref_slice %arg10[%dma_wait3A_348, %dma_wait3A_349, %dma_wait3A_350] : memref<3x128x128xf32, #tpu.memory_space<vmem>> -> memref<1x128x128xf32, #tpu.memory_space<vmem>>
      %dma_wait3A_352 = tpu.memref_squeeze %dma_wait3A_351 : memref<1x128x128xf32, #tpu.memory_space<vmem>> -> memref<128x128xf32, #tpu.memory_space<vmem>>
      %dma_wait3A_353 = arith.constant 0 : i32
      %dma_wait3A_354 = tpu.memref_slice %arg9[%dma_wait3A_347, %dma_wait3A_353] : memref<3x128xi32, #tpu.memory_space<vmem>> -> memref<1x128xi32, #tpu.memory_space<vmem>>
      %dma_wait3A_355 = tpu.memref_squeeze %dma_wait3A_354 : memref<1x128xi32, #tpu.memory_space<vmem>> -> memref<128xi32, #tpu.memory_space<vmem>>
      %dma_wait3A_356 = arith.constant 0 : i32
      %dma_wait3A_357 = arith.constant 0 : i32
      %dma_wait3A_358 = tpu.memref_slice %arg2[%dma_wait3A_356, %dma_wait3A_357] : memref<10000x128xf32, #tpu.memory_space<hbm>> -> memref<10000x128xf32, #tpu.memory_space<hbm>>
      tpu.wait_indirect_dma semaphore(%arg11 : memref<!tpu.dma_semaphore, #tpu.memory_space<semaphore_mem>>) src(%dma_wait3A_358 : memref<10000x128xf32, #tpu.memory_space<hbm>>) dst(%dma_wait3A_352 : memref<128x128xf32, #tpu.memory_space<vmem>>)
      %dma_start3A_359 = arith.constant 1 : i32
      %dma_start3A_360 = arith.constant 1 : i32
      %dma_start3A_361 = arith.constant 0 : i32
      %dma_start3A_362 = arith.constant 0 : i32
      %dma_start3A_363 = tpu.memref_slice %arg10[%dma_start3A_359, %dma_start3A_361, %dma_start3A_362] : memref<3x128x128xf32, #tpu.memory_space<vmem>> -> memref<1x128x128xf32, #tpu.memory_space<vmem>>
      %dma_start3A_364 = tpu.memref_squeeze %dma_start3A_363 : memref<1x128x128xf32, #tpu.memory_space<vmem>> -> memref<128x128xf32, #tpu.memory_space<vmem>>
      %dma_start3A_365 = arith.constant 0 : i32
      %dma_start3A_366 = tpu.memref_slice %arg8[%dma_start3A_360, %dma_start3A_365] : memref<3x128xi32, #tpu.memory_space<vmem>> -> memref<1x128xi32, #tpu.memory_space<vmem>>
      %dma_start3A_367 = tpu.memref_squeeze %dma_start3A_366 : memref<1x128xi32, #tpu.memory_space<vmem>> -> memref<128xi32, #tpu.memory_space<vmem>>
      %dma_start3A_368 = arith.constant 0 : i32
      %dma_start3A_369 = arith.constant 0 : i32
      %dma_start3A_370 = tpu.memref_slice %arg7[%dma_start3A_368, %dma_start3A_369] : memref<10112x128xf32, #tpu.memory_space<vmem_shared>> -> memref<10112x128xf32, #tpu.memory_space<vmem_shared>>
      tpu.enqueue_indirect_dma source(%dma_start3A_364 : memref<128x128xf32, #tpu.memory_space<vmem>>) target(%dma_start3A_370 : memref<10112x128xf32, #tpu.memory_space<vmem_shared>>) offsets(%dma_start3A_367 : memref<128xi32, #tpu.memory_space<vmem>>) semaphore(%arg13 : memref<!tpu.dma_semaphore, #tpu.memory_space<semaphore_mem>>) {add = true}
      %add3A_371 = arith.constant 0 : i32
      %add3A_372 = arith.addi %mul3A_306, %add3A_371 : i32
      %dma_wait3A_373 = arith.constant 0 : i32
      %dma_wait3A_374 = arith.constant 0 : i32
      %dma_wait3A_375 = arith.constant 0 : i32
      %dma_wait3A_376 = arith.constant 0 : i32
      %dma_wait3A_377 = tpu.memref_slice %arg10[%dma_wait3A_373, %dma_wait3A_375, %dma_wait3A_376] : memref<3x128x128xf32, #tpu.memory_space<vmem>> -> memref<1x128x128xf32, #tpu.memory_space<vmem>>
      %dma_wait3A_378 = tpu.memref_squeeze %dma_wait3A_377 : memref<1x128x128xf32, #tpu.memory_space<vmem>> -> memref<128x128xf32, #tpu.memory_space<vmem>>
      %dma_wait3A_379 = arith.constant 0 : i32
      %dma_wait3A_380 = tpu.memref_slice %arg8[%dma_wait3A_374, %dma_wait3A_379] : memref<3x128xi32, #tpu.memory_space<vmem>> -> memref<1x128xi32, #tpu.memory_space<vmem>>
      %dma_wait3A_381 = tpu.memref_squeeze %dma_wait3A_380 : memref<1x128xi32, #tpu.memory_space<vmem>> -> memref<128xi32, #tpu.memory_space<vmem>>
      %dma_wait3A_382 = arith.constant 0 : i32
      %dma_wait3A_383 = arith.constant 0 : i32
      %dma_wait3A_384 = tpu.memref_slice %arg7[%dma_wait3A_382, %dma_wait3A_383] : memref<10112x128xf32, #tpu.memory_space<vmem_shared>> -> memref<10112x128xf32, #tpu.memory_space<vmem_shared>>
      tpu.wait_indirect_dma semaphore(%arg13 : memref<!tpu.dma_semaphore, #tpu.memory_space<semaphore_mem>>) src(%dma_wait3A_378 : memref<128x128xf32, #tpu.memory_space<vmem>>) dst(%dma_wait3A_384 : memref<10112x128xf32, #tpu.memory_space<vmem_shared>>)
      %add3A_385 = arith.addi %mul3A_24, %add3A_372 : i32
      %lt3A_386 = arith.constant 2500 : i32
      %lt3A_387 = arith.cmpi slt, %add3A_385, %lt3A_386 : i32
      %convert_element_type3A_388 = arith.extui %lt3A_387 : i1 to i32
      %cond3A_389 = arith.constant 0 : i32
      %cond3A_390 = arith.constant 0 : i32
      %cond3A_391 = arith.cmpi ne, %convert_element_type3A_388, %cond3A_390 : i32
      %cond3A_392 = scf.if %cond3A_391 -> (i32) {
        %dma_start3A_566 = arith.constant 0 : i32
        %dma_start3A_567 = arith.constant 0 : i32
        %dma_start3A_568 = arith.constant 0 : i32
        %dma_start3A_569 = tpu.memref_slice %arg9[%dma_start3A_567, %dma_start3A_568] : memref<3x128xi32, #tpu.memory_space<vmem>> -> memref<1x128xi32, #tpu.memory_space<vmem>>
        %dma_start3A_570 = tpu.memref_squeeze %dma_start3A_569 : memref<1x128xi32, #tpu.memory_space<vmem>> -> memref<128xi32, #tpu.memory_space<vmem>>
        %dma_start3A_571 = arith.constant 0 : i32
        %dma_start3A_572 = tpu.memref_slice %arg3[%dma_start3A_566, %add3A_385, %dma_start3A_571] : memref<2x2500x128xi32, #tpu.memory_space<hbm>> -> memref<1x1x128xi32, #tpu.memory_space<hbm>>
        %dma_start3A_573 = tpu.memref_squeeze %dma_start3A_572 : memref<1x1x128xi32, #tpu.memory_space<hbm>> -> memref<128xi32, #tpu.memory_space<hbm>>
        %dma_start3A_574 = arith.constant 0 : i32
        %dma_start3A_575 = tpu.memref_slice %arg9[%dma_start3A_567, %dma_start3A_574] : memref<3x128xi32, #tpu.memory_space<vmem>> -> memref<1x128xi32, #tpu.memory_space<vmem>>
        %dma_start3A_576 = tpu.memref_squeeze %dma_start3A_575 : memref<1x128xi32, #tpu.memory_space<vmem>> -> memref<128xi32, #tpu.memory_space<vmem>>
        %dma_start3A_577 = arith.constant 0 : i32
        %dma_start3A_578 = tpu.memref_slice %arg3[%dma_start3A_566, %add3A_385, %dma_start3A_577] : memref<2x2500x128xi32, #tpu.memory_space<hbm>> -> memref<1x1x128xi32, #tpu.memory_space<hbm>>
        %dma_start3A_579 = tpu.memref_squeeze %dma_start3A_578 : memref<1x1x128xi32, #tpu.memory_space<hbm>> -> memref<128xi32, #tpu.memory_space<hbm>>
        tpu.enqueue_dma source(%dma_start3A_579 : memref<128xi32, #tpu.memory_space<hbm>>) target(%dma_start3A_576 : memref<128xi32, #tpu.memory_space<vmem>>) target_semaphore(%arg12 : memref<!tpu.dma_semaphore, #tpu.memory_space<semaphore_mem>>)
        %dma_start3A_580 = arith.constant 1 : i32
        %dma_start3A_581 = arith.constant 0 : i32
        %dma_start3A_582 = arith.constant 0 : i32
        %dma_start3A_583 = tpu.memref_slice %arg8[%dma_start3A_581, %dma_start3A_582] : memref<3x128xi32, #tpu.memory_space<vmem>> -> memref<1x128xi32, #tpu.memory_space<vmem>>
        %dma_start3A_584 = tpu.memref_squeeze %dma_start3A_583 : memref<1x128xi32, #tpu.memory_space<vmem>> -> memref<128xi32, #tpu.memory_space<vmem>>
        %dma_start3A_585 = arith.constant 0 : i32
        %dma_start3A_586 = tpu.memref_slice %arg3[%dma_start3A_580, %add3A_385, %dma_start3A_585] : memref<2x2500x128xi32, #tpu.memory_space<hbm>> -> memref<1x1x128xi32, #tpu.memory_space<hbm>>
        %dma_start3A_587 = tpu.memref_squeeze %dma_start3A_586 : memref<1x1x128xi32, #tpu.memory_space<hbm>> -> memref<128xi32, #tpu.memory_space<hbm>>
        %dma_start3A_588 = arith.constant 0 : i32
        %dma_start3A_589 = tpu.memref_slice %arg8[%dma_start3A_581, %dma_start3A_588] : memref<3x128xi32, #tpu.memory_space<vmem>> -> memref<1x128xi32, #tpu.memory_space<vmem>>
        %dma_start3A_590 = tpu.memref_squeeze %dma_start3A_589 : memref<1x128xi32, #tpu.memory_space<vmem>> -> memref<128xi32, #tpu.memory_space<vmem>>
        %dma_start3A_591 = arith.constant 0 : i32
        %dma_start3A_592 = tpu.memref_slice %arg3[%dma_start3A_580, %add3A_385, %dma_start3A_591] : memref<2x2500x128xi32, #tpu.memory_space<hbm>> -> memref<1x1x128xi32, #tpu.memory_space<hbm>>
        %dma_start3A_593 = tpu.memref_squeeze %dma_start3A_592 : memref<1x1x128xi32, #tpu.memory_space<hbm>> -> memref<128xi32, #tpu.memory_space<hbm>>
        tpu.enqueue_dma source(%dma_start3A_593 : memref<128xi32, #tpu.memory_space<hbm>>) target(%dma_start3A_590 : memref<128xi32, #tpu.memory_space<vmem>>) target_semaphore(%arg12 : memref<!tpu.dma_semaphore, #tpu.memory_space<semaphore_mem>>)
        %cond3A_594 = arith.constant 0 : i32
        scf.yield %cond3A_594 : i32
      } else {
        %sub3A = arith.constant 2500 : i32
        %sub3A_566 = arith.subi %add3A_385, %sub3A : i32
        %dma_start3A_567 = arith.constant 0 : i32
        %dma_start3A_568 = arith.constant 0 : i32
        %dma_start3A_569 = tpu.memref_slice %arg9[%dma_start3A_567, %dma_start3A_568] : memref<3x128xi32, #tpu.memory_space<vmem>> -> memref<1x128xi32, #tpu.memory_space<vmem>>
        %dma_start3A_570 = tpu.memref_squeeze %dma_start3A_569 : memref<1x128xi32, #tpu.memory_space<vmem>> -> memref<128xi32, #tpu.memory_space<vmem>>
        %dma_start3A_571 = arith.constant 0 : i32
        %dma_start3A_572 = tpu.memref_slice %arg4[%sub3A_566, %dma_start3A_571] : memref<92x128xi32, #tpu.memory_space<hbm>> -> memref<1x128xi32, #tpu.memory_space<hbm>>
        %dma_start3A_573 = tpu.memref_squeeze %dma_start3A_572 : memref<1x128xi32, #tpu.memory_space<hbm>> -> memref<128xi32, #tpu.memory_space<hbm>>
        %dma_start3A_574 = arith.constant 0 : i32
        %dma_start3A_575 = tpu.memref_slice %arg9[%dma_start3A_567, %dma_start3A_574] : memref<3x128xi32, #tpu.memory_space<vmem>> -> memref<1x128xi32, #tpu.memory_space<vmem>>
        %dma_start3A_576 = tpu.memref_squeeze %dma_start3A_575 : memref<1x128xi32, #tpu.memory_space<vmem>> -> memref<128xi32, #tpu.memory_space<vmem>>
        %dma_start3A_577 = arith.constant 0 : i32
        %dma_start3A_578 = tpu.memref_slice %arg4[%sub3A_566, %dma_start3A_577] : memref<92x128xi32, #tpu.memory_space<hbm>> -> memref<1x128xi32, #tpu.memory_space<hbm>>
        %dma_start3A_579 = tpu.memref_squeeze %dma_start3A_578 : memref<1x128xi32, #tpu.memory_space<hbm>> -> memref<128xi32, #tpu.memory_space<hbm>>
        tpu.enqueue_dma source(%dma_start3A_579 : memref<128xi32, #tpu.memory_space<hbm>>) target(%dma_start3A_576 : memref<128xi32, #tpu.memory_space<vmem>>) target_semaphore(%arg12 : memref<!tpu.dma_semaphore, #tpu.memory_space<semaphore_mem>>)
        %dma_start3A_580 = arith.constant 0 : i32
        %dma_start3A_581 = arith.constant 0 : i32
        %dma_start3A_582 = tpu.memref_slice %arg8[%dma_start3A_580, %dma_start3A_581] : memref<3x128xi32, #tpu.memory_space<vmem>> -> memref<1x128xi32, #tpu.memory_space<vmem>>
        %dma_start3A_583 = tpu.memref_squeeze %dma_start3A_582 : memref<1x128xi32, #tpu.memory_space<vmem>> -> memref<128xi32, #tpu.memory_space<vmem>>
        %dma_start3A_584 = arith.constant 0 : i32
        %dma_start3A_585 = tpu.memref_slice %arg5[%sub3A_566, %dma_start3A_584] : memref<92x128xi32, #tpu.memory_space<hbm>> -> memref<1x128xi32, #tpu.memory_space<hbm>>
        %dma_start3A_586 = tpu.memref_squeeze %dma_start3A_585 : memref<1x128xi32, #tpu.memory_space<hbm>> -> memref<128xi32, #tpu.memory_space<hbm>>
        %dma_start3A_587 = arith.constant 0 : i32
        %dma_start3A_588 = tpu.memref_slice %arg8[%dma_start3A_580, %dma_start3A_587] : memref<3x128xi32, #tpu.memory_space<vmem>> -> memref<1x128xi32, #tpu.memory_space<vmem>>
        %dma_start3A_589 = tpu.memref_squeeze %dma_start3A_588 : memref<1x128xi32, #tpu.memory_space<vmem>> -> memref<128xi32, #tpu.memory_space<vmem>>
        %dma_start3A_590 = arith.constant 0 : i32
        %dma_start3A_591 = tpu.memref_slice %arg5[%sub3A_566, %dma_start3A_590] : memref<92x128xi32, #tpu.memory_space<hbm>> -> memref<1x128xi32, #tpu.memory_space<hbm>>
        %dma_start3A_592 = tpu.memref_squeeze %dma_start3A_591 : memref<1x128xi32, #tpu.memory_space<hbm>> -> memref<128xi32, #tpu.memory_space<hbm>>
        tpu.enqueue_dma source(%dma_start3A_592 : memref<128xi32, #tpu.memory_space<hbm>>) target(%dma_start3A_589 : memref<128xi32, #tpu.memory_space<vmem>>) target_semaphore(%arg12 : memref<!tpu.dma_semaphore, #tpu.memory_space<semaphore_mem>>)
        %cond3A_593 = arith.constant 0 : i32
        scf.yield %cond3A_593 : i32
      }
      %dma_wait3A_393 = arith.constant 0 : i32
      %dma_wait3A_394 = arith.constant 0 : i32
      %dma_wait3A_395 = arith.constant 0 : i32
      %dma_wait3A_396 = tpu.memref_slice %arg9[%dma_wait3A_394, %dma_wait3A_395] : memref<3x128xi32, #tpu.memory_space<vmem>> -> memref<1x128xi32, #tpu.memory_space<vmem>>
      %dma_wait3A_397 = tpu.memref_squeeze %dma_wait3A_396 : memref<1x128xi32, #tpu.memory_space<vmem>> -> memref<128xi32, #tpu.memory_space<vmem>>
      %dma_wait3A_398 = arith.constant 0 : i32
      %dma_wait3A_399 = tpu.memref_slice %arg4[%dma_wait3A_393, %dma_wait3A_398] : memref<92x128xi32, #tpu.memory_space<hbm>> -> memref<1x128xi32, #tpu.memory_space<hbm>>
      %dma_wait3A_400 = tpu.memref_squeeze %dma_wait3A_399 : memref<1x128xi32, #tpu.memory_space<hbm>> -> memref<128xi32, #tpu.memory_space<hbm>>
      %dma_wait3A_401 = arith.constant 0 : i32
      %dma_wait3A_402 = tpu.memref_slice %arg9[%dma_wait3A_394, %dma_wait3A_401] : memref<3x128xi32, #tpu.memory_space<vmem>> -> memref<1x128xi32, #tpu.memory_space<vmem>>
      %dma_wait3A_403 = tpu.memref_squeeze %dma_wait3A_402 : memref<1x128xi32, #tpu.memory_space<vmem>> -> memref<128xi32, #tpu.memory_space<vmem>>
      %dma_wait3A_404 = arith.constant 0 : i32
      %dma_wait3A_405 = tpu.memref_slice %arg4[%dma_wait3A_393, %dma_wait3A_404] : memref<92x128xi32, #tpu.memory_space<hbm>> -> memref<1x128xi32, #tpu.memory_space<hbm>>
      %dma_wait3A_406 = tpu.memref_squeeze %dma_wait3A_405 : memref<1x128xi32, #tpu.memory_space<hbm>> -> memref<128xi32, #tpu.memory_space<hbm>>
      tpu.wait_dma2 semaphore(%arg12 : memref<!tpu.dma_semaphore, #tpu.memory_space<semaphore_mem>>) src(%dma_wait3A_406 : memref<128xi32, #tpu.memory_space<hbm>>) dst(%dma_wait3A_403 : memref<128xi32, #tpu.memory_space<vmem>>)
      %dma_wait3A_407 = arith.constant 0 : i32
      %dma_wait3A_408 = arith.constant 0 : i32
      %dma_wait3A_409 = arith.constant 0 : i32
      %dma_wait3A_410 = tpu.memref_slice %arg9[%dma_wait3A_408, %dma_wait3A_409] : memref<3x128xi32, #tpu.memory_space<vmem>> -> memref<1x128xi32, #tpu.memory_space<vmem>>
      %dma_wait3A_411 = tpu.memref_squeeze %dma_wait3A_410 : memref<1x128xi32, #tpu.memory_space<vmem>> -> memref<128xi32, #tpu.memory_space<vmem>>
      %dma_wait3A_412 = arith.constant 0 : i32
      %dma_wait3A_413 = tpu.memref_slice %arg4[%dma_wait3A_407, %dma_wait3A_412] : memref<92x128xi32, #tpu.memory_space<hbm>> -> memref<1x128xi32, #tpu.memory_space<hbm>>
      %dma_wait3A_414 = tpu.memref_squeeze %dma_wait3A_413 : memref<1x128xi32, #tpu.memory_space<hbm>> -> memref<128xi32, #tpu.memory_space<hbm>>
      %dma_wait3A_415 = arith.constant 0 : i32
      %dma_wait3A_416 = tpu.memref_slice %arg9[%dma_wait3A_408, %dma_wait3A_415] : memref<3x128xi32, #tpu.memory_space<vmem>> -> memref<1x128xi32, #tpu.memory_space<vmem>>
      %dma_wait3A_417 = tpu.memref_squeeze %dma_wait3A_416 : memref<1x128xi32, #tpu.memory_space<vmem>> -> memref<128xi32, #tpu.memory_space<vmem>>
      %dma_wait3A_418 = arith.constant 0 : i32
      %dma_wait3A_419 = tpu.memref_slice %arg4[%dma_wait3A_407, %dma_wait3A_418] : memref<92x128xi32, #tpu.memory_space<hbm>> -> memref<1x128xi32, #tpu.memory_space<hbm>>
      %dma_wait3A_420 = tpu.memref_squeeze %dma_wait3A_419 : memref<1x128xi32, #tpu.memory_space<hbm>> -> memref<128xi32, #tpu.memory_space<hbm>>
      tpu.wait_dma2 semaphore(%arg12 : memref<!tpu.dma_semaphore, #tpu.memory_space<semaphore_mem>>) src(%dma_wait3A_420 : memref<128xi32, #tpu.memory_space<hbm>>) dst(%dma_wait3A_417 : memref<128xi32, #tpu.memory_space<vmem>>)
      %dma_start3A_421 = arith.constant 0 : i32
      %dma_start3A_422 = arith.constant 0 : i32
      %dma_start3A_423 = arith.constant 0 : i32
      %dma_start3A_424 = arith.constant 0 : i32
      %dma_start3A_425 = tpu.memref_slice %arg10[%dma_start3A_422, %dma_start3A_423, %dma_start3A_424] : memref<3x128x128xf32, #tpu.memory_space<vmem>> -> memref<1x128x128xf32, #tpu.memory_space<vmem>>
      %dma_start3A_426 = tpu.memref_squeeze %dma_start3A_425 : memref<1x128x128xf32, #tpu.memory_space<vmem>> -> memref<128x128xf32, #tpu.memory_space<vmem>>
      %dma_start3A_427 = arith.constant 0 : i32
      %dma_start3A_428 = tpu.memref_slice %arg9[%dma_start3A_421, %dma_start3A_427] : memref<3x128xi32, #tpu.memory_space<vmem>> -> memref<1x128xi32, #tpu.memory_space<vmem>>
      %dma_start3A_429 = tpu.memref_squeeze %dma_start3A_428 : memref<1x128xi32, #tpu.memory_space<vmem>> -> memref<128xi32, #tpu.memory_space<vmem>>
      %dma_start3A_430 = arith.constant 0 : i32
      %dma_start3A_431 = arith.constant 0 : i32
      %dma_start3A_432 = tpu.memref_slice %arg2[%dma_start3A_430, %dma_start3A_431] : memref<10000x128xf32, #tpu.memory_space<hbm>> -> memref<10000x128xf32, #tpu.memory_space<hbm>>
      tpu.enqueue_indirect_dma source(%dma_start3A_432 : memref<10000x128xf32, #tpu.memory_space<hbm>>) target(%dma_start3A_426 : memref<128x128xf32, #tpu.memory_space<vmem>>) offsets(%dma_start3A_429 : memref<128xi32, #tpu.memory_space<vmem>>) semaphore(%arg11 : memref<!tpu.dma_semaphore, #tpu.memory_space<semaphore_mem>>)
      %dma_wait3A_433 = arith.constant 0 : i32
      %dma_wait3A_434 = arith.constant 0 : i32
      %dma_wait3A_435 = arith.constant 0 : i32
      %dma_wait3A_436 = arith.constant 0 : i32
      %dma_wait3A_437 = tpu.memref_slice %arg10[%dma_wait3A_434, %dma_wait3A_435, %dma_wait3A_436] : memref<3x128x128xf32, #tpu.memory_space<vmem>> -> memref<1x128x128xf32, #tpu.memory_space<vmem>>
      %dma_wait3A_438 = tpu.memref_squeeze %dma_wait3A_437 : memref<1x128x128xf32, #tpu.memory_space<vmem>> -> memref<128x128xf32, #tpu.memory_space<vmem>>
      %dma_wait3A_439 = arith.constant 0 : i32
      %dma_wait3A_440 = tpu.memref_slice %arg9[%dma_wait3A_433, %dma_wait3A_439] : memref<3x128xi32, #tpu.memory_space<vmem>> -> memref<1x128xi32, #tpu.memory_space<vmem>>
      %dma_wait3A_441 = tpu.memref_squeeze %dma_wait3A_440 : memref<1x128xi32, #tpu.memory_space<vmem>> -> memref<128xi32, #tpu.memory_space<vmem>>
      %dma_wait3A_442 = arith.constant 0 : i32
      %dma_wait3A_443 = arith.constant 0 : i32
      %dma_wait3A_444 = tpu.memref_slice %arg2[%dma_wait3A_442, %dma_wait3A_443] : memref<10000x128xf32, #tpu.memory_space<hbm>> -> memref<10000x128xf32, #tpu.memory_space<hbm>>
      tpu.wait_indirect_dma semaphore(%arg11 : memref<!tpu.dma_semaphore, #tpu.memory_space<semaphore_mem>>) src(%dma_wait3A_444 : memref<10000x128xf32, #tpu.memory_space<hbm>>) dst(%dma_wait3A_438 : memref<128x128xf32, #tpu.memory_space<vmem>>)
      %dma_start3A_445 = arith.constant 2 : i32
      %dma_start3A_446 = arith.constant 2 : i32
      %dma_start3A_447 = arith.constant 0 : i32
      %dma_start3A_448 = arith.constant 0 : i32
      %dma_start3A_449 = tpu.memref_slice %arg10[%dma_start3A_445, %dma_start3A_447, %dma_start3A_448] : memref<3x128x128xf32, #tpu.memory_space<vmem>> -> memref<1x128x128xf32, #tpu.memory_space<vmem>>
      %dma_start3A_450 = tpu.memref_squeeze %dma_start3A_449 : memref<1x128x128xf32, #tpu.memory_space<vmem>> -> memref<128x128xf32, #tpu.memory_space<vmem>>
      %dma_start3A_451 = arith.constant 0 : i32
      %dma_start3A_452 = tpu.memref_slice %arg8[%dma_start3A_446, %dma_start3A_451] : memref<3x128xi32, #tpu.memory_space<vmem>> -> memref<1x128xi32, #tpu.memory_space<vmem>>
      %dma_start3A_453 = tpu.memref_squeeze %dma_start3A_452 : memref<1x128xi32, #tpu.memory_space<vmem>> -> memref<128xi32, #tpu.memory_space<vmem>>
      %dma_start3A_454 = arith.constant 0 : i32
      %dma_start3A_455 = arith.constant 0 : i32
      %dma_start3A_456 = tpu.memref_slice %arg7[%dma_start3A_454, %dma_start3A_455] : memref<10112x128xf32, #tpu.memory_space<vmem_shared>> -> memref<10112x128xf32, #tpu.memory_space<vmem_shared>>
      tpu.enqueue_indirect_dma source(%dma_start3A_450 : memref<128x128xf32, #tpu.memory_space<vmem>>) target(%dma_start3A_456 : memref<10112x128xf32, #tpu.memory_space<vmem_shared>>) offsets(%dma_start3A_453 : memref<128xi32, #tpu.memory_space<vmem>>) semaphore(%arg13 : memref<!tpu.dma_semaphore, #tpu.memory_space<semaphore_mem>>) {add = true}
      %add3A_457 = arith.constant 1 : i32
      %add3A_458 = arith.addi %mul3A_306, %add3A_457 : i32
      %dma_wait3A_459 = arith.constant 0 : i32
      %dma_wait3A_460 = arith.constant 0 : i32
      %dma_wait3A_461 = arith.constant 0 : i32
      %dma_wait3A_462 = arith.constant 0 : i32
      %dma_wait3A_463 = tpu.memref_slice %arg10[%dma_wait3A_459, %dma_wait3A_461, %dma_wait3A_462] : memref<3x128x128xf32, #tpu.memory_space<vmem>> -> memref<1x128x128xf32, #tpu.memory_space<vmem>>
      %dma_wait3A_464 = tpu.memref_squeeze %dma_wait3A_463 : memref<1x128x128xf32, #tpu.memory_space<vmem>> -> memref<128x128xf32, #tpu.memory_space<vmem>>
      %dma_wait3A_465 = arith.constant 0 : i32
      %dma_wait3A_466 = tpu.memref_slice %arg8[%dma_wait3A_460, %dma_wait3A_465] : memref<3x128xi32, #tpu.memory_space<vmem>> -> memref<1x128xi32, #tpu.memory_space<vmem>>
      %dma_wait3A_467 = tpu.memref_squeeze %dma_wait3A_466 : memref<1x128xi32, #tpu.memory_space<vmem>> -> memref<128xi32, #tpu.memory_space<vmem>>
      %dma_wait3A_468 = arith.constant 0 : i32
      %dma_wait3A_469 = arith.constant 0 : i32
      %dma_wait3A_470 = tpu.memref_slice %arg7[%dma_wait3A_468, %dma_wait3A_469] : memref<10112x128xf32, #tpu.memory_space<vmem_shared>> -> memref<10112x128xf32, #tpu.memory_space<vmem_shared>>
      tpu.wait_indirect_dma semaphore(%arg13 : memref<!tpu.dma_semaphore, #tpu.memory_space<semaphore_mem>>) src(%dma_wait3A_464 : memref<128x128xf32, #tpu.memory_space<vmem>>) dst(%dma_wait3A_470 : memref<10112x128xf32, #tpu.memory_space<vmem_shared>>)
      %add3A_471 = arith.addi %mul3A_24, %add3A_458 : i32
      %lt3A_472 = arith.constant 2500 : i32
      %lt3A_473 = arith.cmpi slt, %add3A_471, %lt3A_472 : i32
      %convert_element_type3A_474 = arith.extui %lt3A_473 : i1 to i32
      %cond3A_475 = arith.constant 0 : i32
      %cond3A_476 = arith.constant 0 : i32
      %cond3A_477 = arith.cmpi ne, %convert_element_type3A_474, %cond3A_476 : i32
      %cond3A_478 = scf.if %cond3A_477 -> (i32) {
        %dma_start3A_566 = arith.constant 0 : i32
        %dma_start3A_567 = arith.constant 1 : i32
        %dma_start3A_568 = arith.constant 0 : i32
        %dma_start3A_569 = tpu.memref_slice %arg9[%dma_start3A_567, %dma_start3A_568] : memref<3x128xi32, #tpu.memory_space<vmem>> -> memref<1x128xi32, #tpu.memory_space<vmem>>
        %dma_start3A_570 = tpu.memref_squeeze %dma_start3A_569 : memref<1x128xi32, #tpu.memory_space<vmem>> -> memref<128xi32, #tpu.memory_space<vmem>>
        %dma_start3A_571 = arith.constant 0 : i32
        %dma_start3A_572 = tpu.memref_slice %arg3[%dma_start3A_566, %add3A_471, %dma_start3A_571] : memref<2x2500x128xi32, #tpu.memory_space<hbm>> -> memref<1x1x128xi32, #tpu.memory_space<hbm>>
        %dma_start3A_573 = tpu.memref_squeeze %dma_start3A_572 : memref<1x1x128xi32, #tpu.memory_space<hbm>> -> memref<128xi32, #tpu.memory_space<hbm>>
        %dma_start3A_574 = arith.constant 0 : i32
        %dma_start3A_575 = tpu.memref_slice %arg9[%dma_start3A_567, %dma_start3A_574] : memref<3x128xi32, #tpu.memory_space<vmem>> -> memref<1x128xi32, #tpu.memory_space<vmem>>
        %dma_start3A_576 = tpu.memref_squeeze %dma_start3A_575 : memref<1x128xi32, #tpu.memory_space<vmem>> -> memref<128xi32, #tpu.memory_space<vmem>>
        %dma_start3A_577 = arith.constant 0 : i32
        %dma_start3A_578 = tpu.memref_slice %arg3[%dma_start3A_566, %add3A_471, %dma_start3A_577] : memref<2x2500x128xi32, #tpu.memory_space<hbm>> -> memref<1x1x128xi32, #tpu.memory_space<hbm>>
        %dma_start3A_579 = tpu.memref_squeeze %dma_start3A_578 : memref<1x1x128xi32, #tpu.memory_space<hbm>> -> memref<128xi32, #tpu.memory_space<hbm>>
        tpu.enqueue_dma source(%dma_start3A_579 : memref<128xi32, #tpu.memory_space<hbm>>) target(%dma_start3A_576 : memref<128xi32, #tpu.memory_space<vmem>>) target_semaphore(%arg12 : memref<!tpu.dma_semaphore, #tpu.memory_space<semaphore_mem>>)
        %dma_start3A_580 = arith.constant 1 : i32
        %dma_start3A_581 = arith.constant 1 : i32
        %dma_start3A_582 = arith.constant 0 : i32
        %dma_start3A_583 = tpu.memref_slice %arg8[%dma_start3A_581, %dma_start3A_582] : memref<3x128xi32, #tpu.memory_space<vmem>> -> memref<1x128xi32, #tpu.memory_space<vmem>>
        %dma_start3A_584 = tpu.memref_squeeze %dma_start3A_583 : memref<1x128xi32, #tpu.memory_space<vmem>> -> memref<128xi32, #tpu.memory_space<vmem>>
        %dma_start3A_585 = arith.constant 0 : i32
        %dma_start3A_586 = tpu.memref_slice %arg3[%dma_start3A_580, %add3A_471, %dma_start3A_585] : memref<2x2500x128xi32, #tpu.memory_space<hbm>> -> memref<1x1x128xi32, #tpu.memory_space<hbm>>
        %dma_start3A_587 = tpu.memref_squeeze %dma_start3A_586 : memref<1x1x128xi32, #tpu.memory_space<hbm>> -> memref<128xi32, #tpu.memory_space<hbm>>
        %dma_start3A_588 = arith.constant 0 : i32
        %dma_start3A_589 = tpu.memref_slice %arg8[%dma_start3A_581, %dma_start3A_588] : memref<3x128xi32, #tpu.memory_space<vmem>> -> memref<1x128xi32, #tpu.memory_space<vmem>>
        %dma_start3A_590 = tpu.memref_squeeze %dma_start3A_589 : memref<1x128xi32, #tpu.memory_space<vmem>> -> memref<128xi32, #tpu.memory_space<vmem>>
        %dma_start3A_591 = arith.constant 0 : i32
        %dma_start3A_592 = tpu.memref_slice %arg3[%dma_start3A_580, %add3A_471, %dma_start3A_591] : memref<2x2500x128xi32, #tpu.memory_space<hbm>> -> memref<1x1x128xi32, #tpu.memory_space<hbm>>
        %dma_start3A_593 = tpu.memref_squeeze %dma_start3A_592 : memref<1x1x128xi32, #tpu.memory_space<hbm>> -> memref<128xi32, #tpu.memory_space<hbm>>
        tpu.enqueue_dma source(%dma_start3A_593 : memref<128xi32, #tpu.memory_space<hbm>>) target(%dma_start3A_590 : memref<128xi32, #tpu.memory_space<vmem>>) target_semaphore(%arg12 : memref<!tpu.dma_semaphore, #tpu.memory_space<semaphore_mem>>)
        %cond3A_594 = arith.constant 0 : i32
        scf.yield %cond3A_594 : i32
      } else {
        %sub3A = arith.constant 2500 : i32
        %sub3A_566 = arith.subi %add3A_471, %sub3A : i32
        %dma_start3A_567 = arith.constant 1 : i32
        %dma_start3A_568 = arith.constant 0 : i32
        %dma_start3A_569 = tpu.memref_slice %arg9[%dma_start3A_567, %dma_start3A_568] : memref<3x128xi32, #tpu.memory_space<vmem>> -> memref<1x128xi32, #tpu.memory_space<vmem>>
        %dma_start3A_570 = tpu.memref_squeeze %dma_start3A_569 : memref<1x128xi32, #tpu.memory_space<vmem>> -> memref<128xi32, #tpu.memory_space<vmem>>
        %dma_start3A_571 = arith.constant 0 : i32
        %dma_start3A_572 = tpu.memref_slice %arg4[%sub3A_566, %dma_start3A_571] : memref<92x128xi32, #tpu.memory_space<hbm>> -> memref<1x128xi32, #tpu.memory_space<hbm>>
        %dma_start3A_573 = tpu.memref_squeeze %dma_start3A_572 : memref<1x128xi32, #tpu.memory_space<hbm>> -> memref<128xi32, #tpu.memory_space<hbm>>
        %dma_start3A_574 = arith.constant 0 : i32
        %dma_start3A_575 = tpu.memref_slice %arg9[%dma_start3A_567, %dma_start3A_574] : memref<3x128xi32, #tpu.memory_space<vmem>> -> memref<1x128xi32, #tpu.memory_space<vmem>>
        %dma_start3A_576 = tpu.memref_squeeze %dma_start3A_575 : memref<1x128xi32, #tpu.memory_space<vmem>> -> memref<128xi32, #tpu.memory_space<vmem>>
        %dma_start3A_577 = arith.constant 0 : i32
        %dma_start3A_578 = tpu.memref_slice %arg4[%sub3A_566, %dma_start3A_577] : memref<92x128xi32, #tpu.memory_space<hbm>> -> memref<1x128xi32, #tpu.memory_space<hbm>>
        %dma_start3A_579 = tpu.memref_squeeze %dma_start3A_578 : memref<1x128xi32, #tpu.memory_space<hbm>> -> memref<128xi32, #tpu.memory_space<hbm>>
        tpu.enqueue_dma source(%dma_start3A_579 : memref<128xi32, #tpu.memory_space<hbm>>) target(%dma_start3A_576 : memref<128xi32, #tpu.memory_space<vmem>>) target_semaphore(%arg12 : memref<!tpu.dma_semaphore, #tpu.memory_space<semaphore_mem>>)
        %dma_start3A_580 = arith.constant 1 : i32
        %dma_start3A_581 = arith.constant 0 : i32
        %dma_start3A_582 = tpu.memref_slice %arg8[%dma_start3A_580, %dma_start3A_581] : memref<3x128xi32, #tpu.memory_space<vmem>> -> memref<1x128xi32, #tpu.memory_space<vmem>>
        %dma_start3A_583 = tpu.memref_squeeze %dma_start3A_582 : memref<1x128xi32, #tpu.memory_space<vmem>> -> memref<128xi32, #tpu.memory_space<vmem>>
        %dma_start3A_584 = arith.constant 0 : i32
        %dma_start3A_585 = tpu.memref_slice %arg5[%sub3A_566, %dma_start3A_584] : memref<92x128xi32, #tpu.memory_space<hbm>> -> memref<1x128xi32, #tpu.memory_space<hbm>>
        %dma_start3A_586 = tpu.memref_squeeze %dma_start3A_585 : memref<1x128xi32, #tpu.memory_space<hbm>> -> memref<128xi32, #tpu.memory_space<hbm>>
        %dma_start3A_587 = arith.constant 0 : i32
        %dma_start3A_588 = tpu.memref_slice %arg8[%dma_start3A_580, %dma_start3A_587] : memref<3x128xi32, #tpu.memory_space<vmem>> -> memref<1x128xi32, #tpu.memory_space<vmem>>
        %dma_start3A_589 = tpu.memref_squeeze %dma_start3A_588 : memref<1x128xi32, #tpu.memory_space<vmem>> -> memref<128xi32, #tpu.memory_space<vmem>>
        %dma_start3A_590 = arith.constant 0 : i32
        %dma_start3A_591 = tpu.memref_slice %arg5[%sub3A_566, %dma_start3A_590] : memref<92x128xi32, #tpu.memory_space<hbm>> -> memref<1x128xi32, #tpu.memory_space<hbm>>
        %dma_start3A_592 = tpu.memref_squeeze %dma_start3A_591 : memref<1x128xi32, #tpu.memory_space<hbm>> -> memref<128xi32, #tpu.memory_space<hbm>>
        tpu.enqueue_dma source(%dma_start3A_592 : memref<128xi32, #tpu.memory_space<hbm>>) target(%dma_start3A_589 : memref<128xi32, #tpu.memory_space<vmem>>) target_semaphore(%arg12 : memref<!tpu.dma_semaphore, #tpu.memory_space<semaphore_mem>>)
        %cond3A_593 = arith.constant 0 : i32
        scf.yield %cond3A_593 : i32
      }
      %dma_wait3A_479 = arith.constant 0 : i32
      %dma_wait3A_480 = arith.constant 0 : i32
      %dma_wait3A_481 = arith.constant 0 : i32
      %dma_wait3A_482 = tpu.memref_slice %arg9[%dma_wait3A_480, %dma_wait3A_481] : memref<3x128xi32, #tpu.memory_space<vmem>> -> memref<1x128xi32, #tpu.memory_space<vmem>>
      %dma_wait3A_483 = tpu.memref_squeeze %dma_wait3A_482 : memref<1x128xi32, #tpu.memory_space<vmem>> -> memref<128xi32, #tpu.memory_space<vmem>>
      %dma_wait3A_484 = arith.constant 0 : i32
      %dma_wait3A_485 = tpu.memref_slice %arg4[%dma_wait3A_479, %dma_wait3A_484] : memref<92x128xi32, #tpu.memory_space<hbm>> -> memref<1x128xi32, #tpu.memory_space<hbm>>
      %dma_wait3A_486 = tpu.memref_squeeze %dma_wait3A_485 : memref<1x128xi32, #tpu.memory_space<hbm>> -> memref<128xi32, #tpu.memory_space<hbm>>
      %dma_wait3A_487 = arith.constant 0 : i32
      %dma_wait3A_488 = tpu.memref_slice %arg9[%dma_wait3A_480, %dma_wait3A_487] : memref<3x128xi32, #tpu.memory_space<vmem>> -> memref<1x128xi32, #tpu.memory_space<vmem>>
      %dma_wait3A_489 = tpu.memref_squeeze %dma_wait3A_488 : memref<1x128xi32, #tpu.memory_space<vmem>> -> memref<128xi32, #tpu.memory_space<vmem>>
      %dma_wait3A_490 = arith.constant 0 : i32
      %dma_wait3A_491 = tpu.memref_slice %arg4[%dma_wait3A_479, %dma_wait3A_490] : memref<92x128xi32, #tpu.memory_space<hbm>> -> memref<1x128xi32, #tpu.memory_space<hbm>>
      %dma_wait3A_492 = tpu.memref_squeeze %dma_wait3A_491 : memref<1x128xi32, #tpu.memory_space<hbm>> -> memref<128xi32, #tpu.memory_space<hbm>>
      tpu.wait_dma2 semaphore(%arg12 : memref<!tpu.dma_semaphore, #tpu.memory_space<semaphore_mem>>) src(%dma_wait3A_492 : memref<128xi32, #tpu.memory_space<hbm>>) dst(%dma_wait3A_489 : memref<128xi32, #tpu.memory_space<vmem>>)
      %dma_wait3A_493 = arith.constant 0 : i32
      %dma_wait3A_494 = arith.constant 0 : i32
      %dma_wait3A_495 = arith.constant 0 : i32
      %dma_wait3A_496 = tpu.memref_slice %arg9[%dma_wait3A_494, %dma_wait3A_495] : memref<3x128xi32, #tpu.memory_space<vmem>> -> memref<1x128xi32, #tpu.memory_space<vmem>>
      %dma_wait3A_497 = tpu.memref_squeeze %dma_wait3A_496 : memref<1x128xi32, #tpu.memory_space<vmem>> -> memref<128xi32, #tpu.memory_space<vmem>>
      %dma_wait3A_498 = arith.constant 0 : i32
      %dma_wait3A_499 = tpu.memref_slice %arg4[%dma_wait3A_493, %dma_wait3A_498] : memref<92x128xi32, #tpu.memory_space<hbm>> -> memref<1x128xi32, #tpu.memory_space<hbm>>
      %dma_wait3A_500 = tpu.memref_squeeze %dma_wait3A_499 : memref<1x128xi32, #tpu.memory_space<hbm>> -> memref<128xi32, #tpu.memory_space<hbm>>
      %dma_wait3A_501 = arith.constant 0 : i32
      %dma_wait3A_502 = tpu.memref_slice %arg9[%dma_wait3A_494, %dma_wait3A_501] : memref<3x128xi32, #tpu.memory_space<vmem>> -> memref<1x128xi32, #tpu.memory_space<vmem>>
      %dma_wait3A_503 = tpu.memref_squeeze %dma_wait3A_502 : memref<1x128xi32, #tpu.memory_space<vmem>> -> memref<128xi32, #tpu.memory_space<vmem>>
      %dma_wait3A_504 = arith.constant 0 : i32
      %dma_wait3A_505 = tpu.memref_slice %arg4[%dma_wait3A_493, %dma_wait3A_504] : memref<92x128xi32, #tpu.memory_space<hbm>> -> memref<1x128xi32, #tpu.memory_space<hbm>>
      %dma_wait3A_506 = tpu.memref_squeeze %dma_wait3A_505 : memref<1x128xi32, #tpu.memory_space<hbm>> -> memref<128xi32, #tpu.memory_space<hbm>>
      tpu.wait_dma2 semaphore(%arg12 : memref<!tpu.dma_semaphore, #tpu.memory_space<semaphore_mem>>) src(%dma_wait3A_506 : memref<128xi32, #tpu.memory_space<hbm>>) dst(%dma_wait3A_503 : memref<128xi32, #tpu.memory_space<vmem>>)
      %dma_start3A_507 = arith.constant 1 : i32
      %dma_start3A_508 = arith.constant 1 : i32
      %dma_start3A_509 = arith.constant 0 : i32
      %dma_start3A_510 = arith.constant 0 : i32
      %dma_start3A_511 = tpu.memref_slice %arg10[%dma_start3A_508, %dma_start3A_509, %dma_start3A_510] : memref<3x128x128xf32, #tpu.memory_space<vmem>> -> memref<1x128x128xf32, #tpu.memory_space<vmem>>
      %dma_start3A_512 = tpu.memref_squeeze %dma_start3A_511 : memref<1x128x128xf32, #tpu.memory_space<vmem>> -> memref<128x128xf32, #tpu.memory_space<vmem>>
      %dma_start3A_513 = arith.constant 0 : i32
      %dma_start3A_514 = tpu.memref_slice %arg9[%dma_start3A_507, %dma_start3A_513] : memref<3x128xi32, #tpu.memory_space<vmem>> -> memref<1x128xi32, #tpu.memory_space<vmem>>
      %dma_start3A_515 = tpu.memref_squeeze %dma_start3A_514 : memref<1x128xi32, #tpu.memory_space<vmem>> -> memref<128xi32, #tpu.memory_space<vmem>>
      %dma_start3A_516 = arith.constant 0 : i32
      %dma_start3A_517 = arith.constant 0 : i32
      %dma_start3A_518 = tpu.memref_slice %arg2[%dma_start3A_516, %dma_start3A_517] : memref<10000x128xf32, #tpu.memory_space<hbm>> -> memref<10000x128xf32, #tpu.memory_space<hbm>>
      tpu.enqueue_indirect_dma source(%dma_start3A_518 : memref<10000x128xf32, #tpu.memory_space<hbm>>) target(%dma_start3A_512 : memref<128x128xf32, #tpu.memory_space<vmem>>) offsets(%dma_start3A_515 : memref<128xi32, #tpu.memory_space<vmem>>) semaphore(%arg11 : memref<!tpu.dma_semaphore, #tpu.memory_space<semaphore_mem>>)
      %dma_wait3A_519 = arith.constant 0 : i32
      %dma_wait3A_520 = arith.constant 0 : i32
      %dma_wait3A_521 = arith.constant 0 : i32
      %dma_wait3A_522 = arith.constant 0 : i32
      %dma_wait3A_523 = tpu.memref_slice %arg10[%dma_wait3A_520, %dma_wait3A_521, %dma_wait3A_522] : memref<3x128x128xf32, #tpu.memory_space<vmem>> -> memref<1x128x128xf32, #tpu.memory_space<vmem>>
      %dma_wait3A_524 = tpu.memref_squeeze %dma_wait3A_523 : memref<1x128x128xf32, #tpu.memory_space<vmem>> -> memref<128x128xf32, #tpu.memory_space<vmem>>
      %dma_wait3A_525 = arith.constant 0 : i32
      %dma_wait3A_526 = tpu.memref_slice %arg9[%dma_wait3A_519, %dma_wait3A_525] : memref<3x128xi32, #tpu.memory_space<vmem>> -> memref<1x128xi32, #tpu.memory_space<vmem>>
      %dma_wait3A_527 = tpu.memref_squeeze %dma_wait3A_526 : memref<1x128xi32, #tpu.memory_space<vmem>> -> memref<128xi32, #tpu.memory_space<vmem>>
      %dma_wait3A_528 = arith.constant 0 : i32
      %dma_wait3A_529 = arith.constant 0 : i32
      %dma_wait3A_530 = tpu.memref_slice %arg2[%dma_wait3A_528, %dma_wait3A_529] : memref<10000x128xf32, #tpu.memory_space<hbm>> -> memref<10000x128xf32, #tpu.memory_space<hbm>>
      tpu.wait_indirect_dma semaphore(%arg11 : memref<!tpu.dma_semaphore, #tpu.memory_space<semaphore_mem>>) src(%dma_wait3A_530 : memref<10000x128xf32, #tpu.memory_space<hbm>>) dst(%dma_wait3A_524 : memref<128x128xf32, #tpu.memory_space<vmem>>)
      %dma_start3A_531 = arith.constant 0 : i32
      %dma_start3A_532 = arith.constant 0 : i32
      %dma_start3A_533 = arith.constant 0 : i32
      %dma_start3A_534 = arith.constant 0 : i32
      %dma_start3A_535 = tpu.memref_slice %arg10[%dma_start3A_531, %dma_start3A_533, %dma_start3A_534] : memref<3x128x128xf32, #tpu.memory_space<vmem>> -> memref<1x128x128xf32, #tpu.memory_space<vmem>>
      %dma_start3A_536 = tpu.memref_squeeze %dma_start3A_535 : memref<1x128x128xf32, #tpu.memory_space<vmem>> -> memref<128x128xf32, #tpu.memory_space<vmem>>
      %dma_start3A_537 = arith.constant 0 : i32
      %dma_start3A_538 = tpu.memref_slice %arg8[%dma_start3A_532, %dma_start3A_537] : memref<3x128xi32, #tpu.memory_space<vmem>> -> memref<1x128xi32, #tpu.memory_space<vmem>>
      %dma_start3A_539 = tpu.memref_squeeze %dma_start3A_538 : memref<1x128xi32, #tpu.memory_space<vmem>> -> memref<128xi32, #tpu.memory_space<vmem>>
      %dma_start3A_540 = arith.constant 0 : i32
      %dma_start3A_541 = arith.constant 0 : i32
      %dma_start3A_542 = tpu.memref_slice %arg7[%dma_start3A_540, %dma_start3A_541] : memref<10112x128xf32, #tpu.memory_space<vmem_shared>> -> memref<10112x128xf32, #tpu.memory_space<vmem_shared>>
      tpu.enqueue_indirect_dma source(%dma_start3A_536 : memref<128x128xf32, #tpu.memory_space<vmem>>) target(%dma_start3A_542 : memref<10112x128xf32, #tpu.memory_space<vmem_shared>>) offsets(%dma_start3A_539 : memref<128xi32, #tpu.memory_space<vmem>>) semaphore(%arg13 : memref<!tpu.dma_semaphore, #tpu.memory_space<semaphore_mem>>) {add = true}
      %add3A_543 = arith.constant 2 : i32
      %add3A_544 = arith.addi %mul3A_306, %add3A_543 : i32
      %dma_wait3A_545 = arith.constant 0 : i32
      %dma_wait3A_546 = arith.constant 0 : i32
      %dma_wait3A_547 = arith.constant 0 : i32
      %dma_wait3A_548 = arith.constant 0 : i32
      %dma_wait3A_549 = tpu.memref_slice %arg10[%dma_wait3A_545, %dma_wait3A_547, %dma_wait3A_548] : memref<3x128x128xf32, #tpu.memory_space<vmem>> -> memref<1x128x128xf32, #tpu.memory_space<vmem>>
      %dma_wait3A_550 = tpu.memref_squeeze %dma_wait3A_549 : memref<1x128x128xf32, #tpu.memory_space<vmem>> -> memref<128x128xf32, #tpu.memory_space<vmem>>
      %dma_wait3A_551 = arith.constant 0 : i32
      %dma_wait3A_552 = tpu.memref_slice %arg8[%dma_wait3A_546, %dma_wait3A_551] : memref<3x128xi32, #tpu.memory_space<vmem>> -> memref<1x128xi32, #tpu.memory_space<vmem>>
      %dma_wait3A_553 = tpu.memref_squeeze %dma_wait3A_552 : memref<1x128xi32, #tpu.memory_space<vmem>> -> memref<128xi32, #tpu.memory_space<vmem>>
      %dma_wait3A_554 = arith.constant 0 : i32
      %dma_wait3A_555 = arith.constant 0 : i32
      %dma_wait3A_556 = tpu.memref_slice %arg7[%dma_wait3A_554, %dma_wait3A_555] : memref<10112x128xf32, #tpu.memory_space<vmem_shared>> -> memref<10112x128xf32, #tpu.memory_space<vmem_shared>>
      tpu.wait_indirect_dma semaphore(%arg13 : memref<!tpu.dma_semaphore, #tpu.memory_space<semaphore_mem>>) src(%dma_wait3A_550 : memref<128x128xf32, #tpu.memory_space<vmem>>) dst(%dma_wait3A_556 : memref<10112x128xf32, #tpu.memory_space<vmem_shared>>)
      %add3A_557 = arith.addi %mul3A_24, %add3A_544 : i32
      %lt3A_558 = arith.constant 2500 : i32
      %lt3A_559 = arith.cmpi slt, %add3A_557, %lt3A_558 : i32
      %convert_element_type3A_560 = arith.extui %lt3A_559 : i1 to i32
      %cond3A_561 = arith.constant 0 : i32
      %cond3A_562 = arith.constant 0 : i32
      %cond3A_563 = arith.cmpi ne, %convert_element_type3A_560, %cond3A_562 : i32
      %cond3A_564 = scf.if %cond3A_563 -> (i32) {
        %dma_start3A_566 = arith.constant 0 : i32
        %dma_start3A_567 = arith.constant 2 : i32
        %dma_start3A_568 = arith.constant 0 : i32
        %dma_start3A_569 = tpu.memref_slice %arg9[%dma_start3A_567, %dma_start3A_568] : memref<3x128xi32, #tpu.memory_space<vmem>> -> memref<1x128xi32, #tpu.memory_space<vmem>>
        %dma_start3A_570 = tpu.memref_squeeze %dma_start3A_569 : memref<1x128xi32, #tpu.memory_space<vmem>> -> memref<128xi32, #tpu.memory_space<vmem>>
        %dma_start3A_571 = arith.constant 0 : i32
        %dma_start3A_572 = tpu.memref_slice %arg3[%dma_start3A_566, %add3A_557, %dma_start3A_571] : memref<2x2500x128xi32, #tpu.memory_space<hbm>> -> memref<1x1x128xi32, #tpu.memory_space<hbm>>
        %dma_start3A_573 = tpu.memref_squeeze %dma_start3A_572 : memref<1x1x128xi32, #tpu.memory_space<hbm>> -> memref<128xi32, #tpu.memory_space<hbm>>
        %dma_start3A_574 = arith.constant 0 : i32
        %dma_start3A_575 = tpu.memref_slice %arg9[%dma_start3A_567, %dma_start3A_574] : memref<3x128xi32, #tpu.memory_space<vmem>> -> memref<1x128xi32, #tpu.memory_space<vmem>>
        %dma_start3A_576 = tpu.memref_squeeze %dma_start3A_575 : memref<1x128xi32, #tpu.memory_space<vmem>> -> memref<128xi32, #tpu.memory_space<vmem>>
        %dma_start3A_577 = arith.constant 0 : i32
        %dma_start3A_578 = tpu.memref_slice %arg3[%dma_start3A_566, %add3A_557, %dma_start3A_577] : memref<2x2500x128xi32, #tpu.memory_space<hbm>> -> memref<1x1x128xi32, #tpu.memory_space<hbm>>
        %dma_start3A_579 = tpu.memref_squeeze %dma_start3A_578 : memref<1x1x128xi32, #tpu.memory_space<hbm>> -> memref<128xi32, #tpu.memory_space<hbm>>
        tpu.enqueue_dma source(%dma_start3A_579 : memref<128xi32, #tpu.memory_space<hbm>>) target(%dma_start3A_576 : memref<128xi32, #tpu.memory_space<vmem>>) target_semaphore(%arg12 : memref<!tpu.dma_semaphore, #tpu.memory_space<semaphore_mem>>)
        %dma_start3A_580 = arith.constant 1 : i32
        %dma_start3A_581 = arith.constant 2 : i32
        %dma_start3A_582 = arith.constant 0 : i32
        %dma_start3A_583 = tpu.memref_slice %arg8[%dma_start3A_581, %dma_start3A_582] : memref<3x128xi32, #tpu.memory_space<vmem>> -> memref<1x128xi32, #tpu.memory_space<vmem>>
        %dma_start3A_584 = tpu.memref_squeeze %dma_start3A_583 : memref<1x128xi32, #tpu.memory_space<vmem>> -> memref<128xi32, #tpu.memory_space<vmem>>
        %dma_start3A_585 = arith.constant 0 : i32
        %dma_start3A_586 = tpu.memref_slice %arg3[%dma_start3A_580, %add3A_557, %dma_start3A_585] : memref<2x2500x128xi32, #tpu.memory_space<hbm>> -> memref<1x1x128xi32, #tpu.memory_space<hbm>>
        %dma_start3A_587 = tpu.memref_squeeze %dma_start3A_586 : memref<1x1x128xi32, #tpu.memory_space<hbm>> -> memref<128xi32, #tpu.memory_space<hbm>>
        %dma_start3A_588 = arith.constant 0 : i32
        %dma_start3A_589 = tpu.memref_slice %arg8[%dma_start3A_581, %dma_start3A_588] : memref<3x128xi32, #tpu.memory_space<vmem>> -> memref<1x128xi32, #tpu.memory_space<vmem>>
        %dma_start3A_590 = tpu.memref_squeeze %dma_start3A_589 : memref<1x128xi32, #tpu.memory_space<vmem>> -> memref<128xi32, #tpu.memory_space<vmem>>
        %dma_start3A_591 = arith.constant 0 : i32
        %dma_start3A_592 = tpu.memref_slice %arg3[%dma_start3A_580, %add3A_557, %dma_start3A_591] : memref<2x2500x128xi32, #tpu.memory_space<hbm>> -> memref<1x1x128xi32, #tpu.memory_space<hbm>>
        %dma_start3A_593 = tpu.memref_squeeze %dma_start3A_592 : memref<1x1x128xi32, #tpu.memory_space<hbm>> -> memref<128xi32, #tpu.memory_space<hbm>>
        tpu.enqueue_dma source(%dma_start3A_593 : memref<128xi32, #tpu.memory_space<hbm>>) target(%dma_start3A_590 : memref<128xi32, #tpu.memory_space<vmem>>) target_semaphore(%arg12 : memref<!tpu.dma_semaphore, #tpu.memory_space<semaphore_mem>>)
        %cond3A_594 = arith.constant 0 : i32
        scf.yield %cond3A_594 : i32
      } else {
        %sub3A = arith.constant 2500 : i32
        %sub3A_566 = arith.subi %add3A_557, %sub3A : i32
        %dma_start3A_567 = arith.constant 2 : i32
        %dma_start3A_568 = arith.constant 0 : i32
        %dma_start3A_569 = tpu.memref_slice %arg9[%dma_start3A_567, %dma_start3A_568] : memref<3x128xi32, #tpu.memory_space<vmem>> -> memref<1x128xi32, #tpu.memory_space<vmem>>
        %dma_start3A_570 = tpu.memref_squeeze %dma_start3A_569 : memref<1x128xi32, #tpu.memory_space<vmem>> -> memref<128xi32, #tpu.memory_space<vmem>>
        %dma_start3A_571 = arith.constant 0 : i32
        %dma_start3A_572 = tpu.memref_slice %arg4[%sub3A_566, %dma_start3A_571] : memref<92x128xi32, #tpu.memory_space<hbm>> -> memref<1x128xi32, #tpu.memory_space<hbm>>
        %dma_start3A_573 = tpu.memref_squeeze %dma_start3A_572 : memref<1x128xi32, #tpu.memory_space<hbm>> -> memref<128xi32, #tpu.memory_space<hbm>>
        %dma_start3A_574 = arith.constant 0 : i32
        %dma_start3A_575 = tpu.memref_slice %arg9[%dma_start3A_567, %dma_start3A_574] : memref<3x128xi32, #tpu.memory_space<vmem>> -> memref<1x128xi32, #tpu.memory_space<vmem>>
        %dma_start3A_576 = tpu.memref_squeeze %dma_start3A_575 : memref<1x128xi32, #tpu.memory_space<vmem>> -> memref<128xi32, #tpu.memory_space<vmem>>
        %dma_start3A_577 = arith.constant 0 : i32
        %dma_start3A_578 = tpu.memref_slice %arg4[%sub3A_566, %dma_start3A_577] : memref<92x128xi32, #tpu.memory_space<hbm>> -> memref<1x128xi32, #tpu.memory_space<hbm>>
        %dma_start3A_579 = tpu.memref_squeeze %dma_start3A_578 : memref<1x128xi32, #tpu.memory_space<hbm>> -> memref<128xi32, #tpu.memory_space<hbm>>
        tpu.enqueue_dma source(%dma_start3A_579 : memref<128xi32, #tpu.memory_space<hbm>>) target(%dma_start3A_576 : memref<128xi32, #tpu.memory_space<vmem>>) target_semaphore(%arg12 : memref<!tpu.dma_semaphore, #tpu.memory_space<semaphore_mem>>)
        %dma_start3A_580 = arith.constant 2 : i32
        %dma_start3A_581 = arith.constant 0 : i32
        %dma_start3A_582 = tpu.memref_slice %arg8[%dma_start3A_580, %dma_start3A_581] : memref<3x128xi32, #tpu.memory_space<vmem>> -> memref<1x128xi32, #tpu.memory_space<vmem>>
        %dma_start3A_583 = tpu.memref_squeeze %dma_start3A_582 : memref<1x128xi32, #tpu.memory_space<vmem>> -> memref<128xi32, #tpu.memory_space<vmem>>
        %dma_start3A_584 = arith.constant 0 : i32
        %dma_start3A_585 = tpu.memref_slice %arg5[%sub3A_566, %dma_start3A_584] : memref<92x128xi32, #tpu.memory_space<hbm>> -> memref<1x128xi32, #tpu.memory_space<hbm>>
        %dma_start3A_586 = tpu.memref_squeeze %dma_start3A_585 : memref<1x128xi32, #tpu.memory_space<hbm>> -> memref<128xi32, #tpu.memory_space<hbm>>
        %dma_start3A_587 = arith.constant 0 : i32
        %dma_start3A_588 = tpu.memref_slice %arg8[%dma_start3A_580, %dma_start3A_587] : memref<3x128xi32, #tpu.memory_space<vmem>> -> memref<1x128xi32, #tpu.memory_space<vmem>>
        %dma_start3A_589 = tpu.memref_squeeze %dma_start3A_588 : memref<1x128xi32, #tpu.memory_space<vmem>> -> memref<128xi32, #tpu.memory_space<vmem>>
        %dma_start3A_590 = arith.constant 0 : i32
        %dma_start3A_591 = tpu.memref_slice %arg5[%sub3A_566, %dma_start3A_590] : memref<92x128xi32, #tpu.memory_space<hbm>> -> memref<1x128xi32, #tpu.memory_space<hbm>>
        %dma_start3A_592 = tpu.memref_squeeze %dma_start3A_591 : memref<1x128xi32, #tpu.memory_space<hbm>> -> memref<128xi32, #tpu.memory_space<hbm>>
        tpu.enqueue_dma source(%dma_start3A_592 : memref<128xi32, #tpu.memory_space<hbm>>) target(%dma_start3A_589 : memref<128xi32, #tpu.memory_space<vmem>>) target_semaphore(%arg12 : memref<!tpu.dma_semaphore, #tpu.memory_space<semaphore_mem>>)
        %cond3A_593 = arith.constant 0 : i32
        scf.yield %cond3A_593 : i32
      }
      %scan3A_565 = arith.constant 0 : i32
      scf.yield %scan3A_565 : i32
    }
    %scan3A_157 = arith.constant 26 : i32
    %dma_wait3A_158 = arith.constant 0 : i32
    %dma_wait3A_159 = arith.constant 0 : i32
    %dma_wait3A_160 = arith.constant 0 : i32
    %dma_wait3A_161 = tpu.memref_slice %arg9[%dma_wait3A_159, %dma_wait3A_160] : memref<3x128xi32, #tpu.memory_space<vmem>> -> memref<1x128xi32, #tpu.memory_space<vmem>>
    %dma_wait3A_162 = tpu.memref_squeeze %dma_wait3A_161 : memref<1x128xi32, #tpu.memory_space<vmem>> -> memref<128xi32, #tpu.memory_space<vmem>>
    %dma_wait3A_163 = arith.constant 0 : i32
    %dma_wait3A_164 = tpu.memref_slice %arg4[%dma_wait3A_158, %dma_wait3A_163] : memref<92x128xi32, #tpu.memory_space<hbm>> -> memref<1x128xi32, #tpu.memory_space<hbm>>
    %dma_wait3A_165 = tpu.memref_squeeze %dma_wait3A_164 : memref<1x128xi32, #tpu.memory_space<hbm>> -> memref<128xi32, #tpu.memory_space<hbm>>
    %dma_wait3A_166 = arith.constant 0 : i32
    %dma_wait3A_167 = tpu.memref_slice %arg9[%dma_wait3A_159, %dma_wait3A_166] : memref<3x128xi32, #tpu.memory_space<vmem>> -> memref<1x128xi32, #tpu.memory_space<vmem>>
    %dma_wait3A_168 = tpu.memref_squeeze %dma_wait3A_167 : memref<1x128xi32, #tpu.memory_space<vmem>> -> memref<128xi32, #tpu.memory_space<vmem>>
    %dma_wait3A_169 = arith.constant 0 : i32
    %dma_wait3A_170 = tpu.memref_slice %arg4[%dma_wait3A_158, %dma_wait3A_169] : memref<92x128xi32, #tpu.memory_space<hbm>> -> memref<1x128xi32, #tpu.memory_space<hbm>>
    %dma_wait3A_171 = tpu.memref_squeeze %dma_wait3A_170 : memref<1x128xi32, #tpu.memory_space<hbm>> -> memref<128xi32, #tpu.memory_space<hbm>>
    tpu.wait_dma2 semaphore(%arg12 : memref<!tpu.dma_semaphore, #tpu.memory_space<semaphore_mem>>) src(%dma_wait3A_171 : memref<128xi32, #tpu.memory_space<hbm>>) dst(%dma_wait3A_168 : memref<128xi32, #tpu.memory_space<vmem>>)
    %dma_wait3A_172 = arith.constant 0 : i32
    %dma_wait3A_173 = arith.constant 0 : i32
    %dma_wait3A_174 = arith.constant 0 : i32
    %dma_wait3A_175 = tpu.memref_slice %arg9[%dma_wait3A_173, %dma_wait3A_174] : memref<3x128xi32, #tpu.memory_space<vmem>> -> memref<1x128xi32, #tpu.memory_space<vmem>>
    %dma_wait3A_176 = tpu.memref_squeeze %dma_wait3A_175 : memref<1x128xi32, #tpu.memory_space<vmem>> -> memref<128xi32, #tpu.memory_space<vmem>>
    %dma_wait3A_177 = arith.constant 0 : i32
    %dma_wait3A_178 = tpu.memref_slice %arg4[%dma_wait3A_172, %dma_wait3A_177] : memref<92x128xi32, #tpu.memory_space<hbm>> -> memref<1x128xi32, #tpu.memory_space<hbm>>
    %dma_wait3A_179 = tpu.memref_squeeze %dma_wait3A_178 : memref<1x128xi32, #tpu.memory_space<hbm>> -> memref<128xi32, #tpu.memory_space<hbm>>
    %dma_wait3A_180 = arith.constant 0 : i32
    %dma_wait3A_181 = tpu.memref_slice %arg9[%dma_wait3A_173, %dma_wait3A_180] : memref<3x128xi32, #tpu.memory_space<vmem>> -> memref<1x128xi32, #tpu.memory_space<vmem>>
    %dma_wait3A_182 = tpu.memref_squeeze %dma_wait3A_181 : memref<1x128xi32, #tpu.memory_space<vmem>> -> memref<128xi32, #tpu.memory_space<vmem>>
    %dma_wait3A_183 = arith.constant 0 : i32
    %dma_wait3A_184 = tpu.memref_slice %arg4[%dma_wait3A_172, %dma_wait3A_183] : memref<92x128xi32, #tpu.memory_space<hbm>> -> memref<1x128xi32, #tpu.memory_space<hbm>>
    %dma_wait3A_185 = tpu.memref_squeeze %dma_wait3A_184 : memref<1x128xi32, #tpu.memory_space<hbm>> -> memref<128xi32, #tpu.memory_space<hbm>>
    tpu.wait_dma2 semaphore(%arg12 : memref<!tpu.dma_semaphore, #tpu.memory_space<semaphore_mem>>) src(%dma_wait3A_185 : memref<128xi32, #tpu.memory_space<hbm>>) dst(%dma_wait3A_182 : memref<128xi32, #tpu.memory_space<vmem>>)
    %dma_start3A_186 = arith.constant 2 : i32
    %dma_start3A_187 = arith.constant 2 : i32
    %dma_start3A_188 = arith.constant 0 : i32
    %dma_start3A_189 = arith.constant 0 : i32
    %dma_start3A_190 = tpu.memref_slice %arg10[%dma_start3A_187, %dma_start3A_188, %dma_start3A_189] : memref<3x128x128xf32, #tpu.memory_space<vmem>> -> memref<1x128x128xf32, #tpu.memory_space<vmem>>
    %dma_start3A_191 = tpu.memref_squeeze %dma_start3A_190 : memref<1x128x128xf32, #tpu.memory_space<vmem>> -> memref<128x128xf32, #tpu.memory_space<vmem>>
    %dma_start3A_192 = arith.constant 0 : i32
    %dma_start3A_193 = tpu.memref_slice %arg9[%dma_start3A_186, %dma_start3A_192] : memref<3x128xi32, #tpu.memory_space<vmem>> -> memref<1x128xi32, #tpu.memory_space<vmem>>
    %dma_start3A_194 = tpu.memref_squeeze %dma_start3A_193 : memref<1x128xi32, #tpu.memory_space<vmem>> -> memref<128xi32, #tpu.memory_space<vmem>>
    %dma_start3A_195 = arith.constant 0 : i32
    %dma_start3A_196 = arith.constant 0 : i32
    %dma_start3A_197 = tpu.memref_slice %arg2[%dma_start3A_195, %dma_start3A_196] : memref<10000x128xf32, #tpu.memory_space<hbm>> -> memref<10000x128xf32, #tpu.memory_space<hbm>>
    tpu.enqueue_indirect_dma source(%dma_start3A_197 : memref<10000x128xf32, #tpu.memory_space<hbm>>) target(%dma_start3A_191 : memref<128x128xf32, #tpu.memory_space<vmem>>) offsets(%dma_start3A_194 : memref<128xi32, #tpu.memory_space<vmem>>) semaphore(%arg11 : memref<!tpu.dma_semaphore, #tpu.memory_space<semaphore_mem>>)
    %dma_wait3A_198 = arith.constant 0 : i32
    %dma_wait3A_199 = arith.constant 0 : i32
    %dma_wait3A_200 = arith.constant 0 : i32
    %dma_wait3A_201 = arith.constant 0 : i32
    %dma_wait3A_202 = tpu.memref_slice %arg10[%dma_wait3A_199, %dma_wait3A_200, %dma_wait3A_201] : memref<3x128x128xf32, #tpu.memory_space<vmem>> -> memref<1x128x128xf32, #tpu.memory_space<vmem>>
    %dma_wait3A_203 = tpu.memref_squeeze %dma_wait3A_202 : memref<1x128x128xf32, #tpu.memory_space<vmem>> -> memref<128x128xf32, #tpu.memory_space<vmem>>
    %dma_wait3A_204 = arith.constant 0 : i32
    %dma_wait3A_205 = tpu.memref_slice %arg9[%dma_wait3A_198, %dma_wait3A_204] : memref<3x128xi32, #tpu.memory_space<vmem>> -> memref<1x128xi32, #tpu.memory_space<vmem>>
    %dma_wait3A_206 = tpu.memref_squeeze %dma_wait3A_205 : memref<1x128xi32, #tpu.memory_space<vmem>> -> memref<128xi32, #tpu.memory_space<vmem>>
    %dma_wait3A_207 = arith.constant 0 : i32
    %dma_wait3A_208 = arith.constant 0 : i32
    %dma_wait3A_209 = tpu.memref_slice %arg2[%dma_wait3A_207, %dma_wait3A_208] : memref<10000x128xf32, #tpu.memory_space<hbm>> -> memref<10000x128xf32, #tpu.memory_space<hbm>>
    tpu.wait_indirect_dma semaphore(%arg11 : memref<!tpu.dma_semaphore, #tpu.memory_space<semaphore_mem>>) src(%dma_wait3A_209 : memref<10000x128xf32, #tpu.memory_space<hbm>>) dst(%dma_wait3A_203 : memref<128x128xf32, #tpu.memory_space<vmem>>)
    %dma_start3A_210 = arith.constant 1 : i32
    %dma_start3A_211 = arith.constant 1 : i32
    %dma_start3A_212 = arith.constant 0 : i32
    %dma_start3A_213 = arith.constant 0 : i32
    %dma_start3A_214 = tpu.memref_slice %arg10[%dma_start3A_210, %dma_start3A_212, %dma_start3A_213] : memref<3x128x128xf32, #tpu.memory_space<vmem>> -> memref<1x128x128xf32, #tpu.memory_space<vmem>>
    %dma_start3A_215 = tpu.memref_squeeze %dma_start3A_214 : memref<1x128x128xf32, #tpu.memory_space<vmem>> -> memref<128x128xf32, #tpu.memory_space<vmem>>
    %dma_start3A_216 = arith.constant 0 : i32
    %dma_start3A_217 = tpu.memref_slice %arg8[%dma_start3A_211, %dma_start3A_216] : memref<3x128xi32, #tpu.memory_space<vmem>> -> memref<1x128xi32, #tpu.memory_space<vmem>>
    %dma_start3A_218 = tpu.memref_squeeze %dma_start3A_217 : memref<1x128xi32, #tpu.memory_space<vmem>> -> memref<128xi32, #tpu.memory_space<vmem>>
    %dma_start3A_219 = arith.constant 0 : i32
    %dma_start3A_220 = arith.constant 0 : i32
    %dma_start3A_221 = tpu.memref_slice %arg7[%dma_start3A_219, %dma_start3A_220] : memref<10112x128xf32, #tpu.memory_space<vmem_shared>> -> memref<10112x128xf32, #tpu.memory_space<vmem_shared>>
    tpu.enqueue_indirect_dma source(%dma_start3A_215 : memref<128x128xf32, #tpu.memory_space<vmem>>) target(%dma_start3A_221 : memref<10112x128xf32, #tpu.memory_space<vmem_shared>>) offsets(%dma_start3A_218 : memref<128xi32, #tpu.memory_space<vmem>>) semaphore(%arg13 : memref<!tpu.dma_semaphore, #tpu.memory_space<semaphore_mem>>) {add = true}
    %dma_wait3A_222 = arith.constant 0 : i32
    %dma_wait3A_223 = arith.constant 0 : i32
    %dma_wait3A_224 = arith.constant 0 : i32
    %dma_wait3A_225 = arith.constant 0 : i32
    %dma_wait3A_226 = tpu.memref_slice %arg10[%dma_wait3A_223, %dma_wait3A_224, %dma_wait3A_225] : memref<3x128x128xf32, #tpu.memory_space<vmem>> -> memref<1x128x128xf32, #tpu.memory_space<vmem>>
    %dma_wait3A_227 = tpu.memref_squeeze %dma_wait3A_226 : memref<1x128x128xf32, #tpu.memory_space<vmem>> -> memref<128x128xf32, #tpu.memory_space<vmem>>
    %dma_wait3A_228 = arith.constant 0 : i32
    %dma_wait3A_229 = tpu.memref_slice %arg9[%dma_wait3A_222, %dma_wait3A_228] : memref<3x128xi32, #tpu.memory_space<vmem>> -> memref<1x128xi32, #tpu.memory_space<vmem>>
    %dma_wait3A_230 = tpu.memref_squeeze %dma_wait3A_229 : memref<1x128xi32, #tpu.memory_space<vmem>> -> memref<128xi32, #tpu.memory_space<vmem>>
    %dma_wait3A_231 = arith.constant 0 : i32
    %dma_wait3A_232 = arith.constant 0 : i32
    %dma_wait3A_233 = tpu.memref_slice %arg2[%dma_wait3A_231, %dma_wait3A_232] : memref<10000x128xf32, #tpu.memory_space<hbm>> -> memref<10000x128xf32, #tpu.memory_space<hbm>>
    tpu.wait_indirect_dma semaphore(%arg11 : memref<!tpu.dma_semaphore, #tpu.memory_space<semaphore_mem>>) src(%dma_wait3A_233 : memref<10000x128xf32, #tpu.memory_space<hbm>>) dst(%dma_wait3A_227 : memref<128x128xf32, #tpu.memory_space<vmem>>)
    %dma_start3A_234 = arith.constant 2 : i32
    %dma_start3A_235 = arith.constant 2 : i32
    %dma_start3A_236 = arith.constant 0 : i32
    %dma_start3A_237 = arith.constant 0 : i32
    %dma_start3A_238 = tpu.memref_slice %arg10[%dma_start3A_234, %dma_start3A_236, %dma_start3A_237] : memref<3x128x128xf32, #tpu.memory_space<vmem>> -> memref<1x128x128xf32, #tpu.memory_space<vmem>>
    %dma_start3A_239 = tpu.memref_squeeze %dma_start3A_238 : memref<1x128x128xf32, #tpu.memory_space<vmem>> -> memref<128x128xf32, #tpu.memory_space<vmem>>
    %dma_start3A_240 = arith.constant 0 : i32
    %dma_start3A_241 = tpu.memref_slice %arg8[%dma_start3A_235, %dma_start3A_240] : memref<3x128xi32, #tpu.memory_space<vmem>> -> memref<1x128xi32, #tpu.memory_space<vmem>>
    %dma_start3A_242 = tpu.memref_squeeze %dma_start3A_241 : memref<1x128xi32, #tpu.memory_space<vmem>> -> memref<128xi32, #tpu.memory_space<vmem>>
    %dma_start3A_243 = arith.constant 0 : i32
    %dma_start3A_244 = arith.constant 0 : i32
    %dma_start3A_245 = tpu.memref_slice %arg7[%dma_start3A_243, %dma_start3A_244] : memref<10112x128xf32, #tpu.memory_space<vmem_shared>> -> memref<10112x128xf32, #tpu.memory_space<vmem_shared>>
    tpu.enqueue_indirect_dma source(%dma_start3A_239 : memref<128x128xf32, #tpu.memory_space<vmem>>) target(%dma_start3A_245 : memref<10112x128xf32, #tpu.memory_space<vmem_shared>>) offsets(%dma_start3A_242 : memref<128xi32, #tpu.memory_space<vmem>>) semaphore(%arg13 : memref<!tpu.dma_semaphore, #tpu.memory_space<semaphore_mem>>) {add = true}
    %dma_wait3A_246 = arith.constant 0 : i32
    %dma_wait3A_247 = arith.constant 0 : i32
    %dma_wait3A_248 = arith.constant 0 : i32
    %dma_wait3A_249 = arith.constant 0 : i32
    %dma_wait3A_250 = tpu.memref_slice %arg10[%dma_wait3A_246, %dma_wait3A_248, %dma_wait3A_249] : memref<3x128x128xf32, #tpu.memory_space<vmem>> -> memref<1x128x128xf32, #tpu.memory_space<vmem>>
    %dma_wait3A_251 = tpu.memref_squeeze %dma_wait3A_250 : memref<1x128x128xf32, #tpu.memory_space<vmem>> -> memref<128x128xf32, #tpu.memory_space<vmem>>
    %dma_wait3A_252 = arith.constant 0 : i32
    %dma_wait3A_253 = tpu.memref_slice %arg8[%dma_wait3A_247, %dma_wait3A_252] : memref<3x128xi32, #tpu.memory_space<vmem>> -> memref<1x128xi32, #tpu.memory_space<vmem>>
    %dma_wait3A_254 = tpu.memref_squeeze %dma_wait3A_253 : memref<1x128xi32, #tpu.memory_space<vmem>> -> memref<128xi32, #tpu.memory_space<vmem>>
    %dma_wait3A_255 = arith.constant 0 : i32
    %dma_wait3A_256 = arith.constant 0 : i32
    %dma_wait3A_257 = tpu.memref_slice %arg7[%dma_wait3A_255, %dma_wait3A_256] : memref<10112x128xf32, #tpu.memory_space<vmem_shared>> -> memref<10112x128xf32, #tpu.memory_space<vmem_shared>>
    tpu.wait_indirect_dma semaphore(%arg13 : memref<!tpu.dma_semaphore, #tpu.memory_space<semaphore_mem>>) src(%dma_wait3A_251 : memref<128x128xf32, #tpu.memory_space<vmem>>) dst(%dma_wait3A_257 : memref<10112x128xf32, #tpu.memory_space<vmem_shared>>)
    %dma_wait3A_258 = arith.constant 0 : i32
    %dma_wait3A_259 = arith.constant 0 : i32
    %dma_wait3A_260 = arith.constant 0 : i32
    %dma_wait3A_261 = arith.constant 0 : i32
    %dma_wait3A_262 = tpu.memref_slice %arg10[%dma_wait3A_258, %dma_wait3A_260, %dma_wait3A_261] : memref<3x128x128xf32, #tpu.memory_space<vmem>> -> memref<1x128x128xf32, #tpu.memory_space<vmem>>
    %dma_wait3A_263 = tpu.memref_squeeze %dma_wait3A_262 : memref<1x128x128xf32, #tpu.memory_space<vmem>> -> memref<128x128xf32, #tpu.memory_space<vmem>>
    %dma_wait3A_264 = arith.constant 0 : i32
    %dma_wait3A_265 = tpu.memref_slice %arg8[%dma_wait3A_259, %dma_wait3A_264] : memref<3x128xi32, #tpu.memory_space<vmem>> -> memref<1x128xi32, #tpu.memory_space<vmem>>
    %dma_wait3A_266 = tpu.memref_squeeze %dma_wait3A_265 : memref<1x128xi32, #tpu.memory_space<vmem>> -> memref<128xi32, #tpu.memory_space<vmem>>
    %dma_wait3A_267 = arith.constant 0 : i32
    %dma_wait3A_268 = arith.constant 0 : i32
    %dma_wait3A_269 = tpu.memref_slice %arg7[%dma_wait3A_267, %dma_wait3A_268] : memref<10112x128xf32, #tpu.memory_space<vmem_shared>> -> memref<10112x128xf32, #tpu.memory_space<vmem_shared>>
    tpu.wait_indirect_dma semaphore(%arg13 : memref<!tpu.dma_semaphore, #tpu.memory_space<semaphore_mem>>) src(%dma_wait3A_263 : memref<128x128xf32, #tpu.memory_space<vmem>>) dst(%dma_wait3A_269 : memref<10112x128xf32, #tpu.memory_space<vmem_shared>>)
    %dma_wait3A_270 = arith.constant 0 : i32
    %dma_wait3A_271 = arith.constant 0 : i32
    %dma_wait3A_272 = arith.constant 0 : i32
    %dma_wait3A_273 = arith.constant 0 : i32
    %dma_wait3A_274 = tpu.memref_slice %arg10[%dma_wait3A_270, %dma_wait3A_272, %dma_wait3A_273] : memref<3x128x128xf32, #tpu.memory_space<vmem>> -> memref<1x128x128xf32, #tpu.memory_space<vmem>>
    %dma_wait3A_275 = tpu.memref_squeeze %dma_wait3A_274 : memref<1x128x128xf32, #tpu.memory_space<vmem>> -> memref<128x128xf32, #tpu.memory_space<vmem>>
    %dma_wait3A_276 = arith.constant 0 : i32
    %dma_wait3A_277 = tpu.memref_slice %arg8[%dma_wait3A_271, %dma_wait3A_276] : memref<3x128xi32, #tpu.memory_space<vmem>> -> memref<1x128xi32, #tpu.memory_space<vmem>>
    %dma_wait3A_278 = tpu.memref_squeeze %dma_wait3A_277 : memref<1x128xi32, #tpu.memory_space<vmem>> -> memref<128xi32, #tpu.memory_space<vmem>>
    %dma_wait3A_279 = arith.constant 0 : i32
    %dma_wait3A_280 = arith.constant 0 : i32
    %dma_wait3A_281 = tpu.memref_slice %arg7[%dma_wait3A_279, %dma_wait3A_280] : memref<10112x128xf32, #tpu.memory_space<vmem_shared>> -> memref<10112x128xf32, #tpu.memory_space<vmem_shared>>
    tpu.wait_indirect_dma semaphore(%arg13 : memref<!tpu.dma_semaphore, #tpu.memory_space<semaphore_mem>>) src(%dma_wait3A_275 : memref<128x128xf32, #tpu.memory_space<vmem>>) dst(%dma_wait3A_281 : memref<10112x128xf32, #tpu.memory_space<vmem_shared>>)
    %barrier3A_282 = arith.constant 0 : index
    tpu.barrier barrier_id(%barrier3A_282)
    %add3A_283 = arith.constant 0 : i32
    %add3A_284 = arith.addi %mul3A_8, %add3A_283 : i32
    %add3A_285 = arith.constant 0 : i32
    %add3A_286 = arith.addi %mul3A_8, %add3A_285 : i32
    "tpu.region"() ({
      %run_scoped3A_303 = tpu.sem_alloc : memref<!tpu.dma_semaphore, #tpu.memory_space<semaphore_mem>>
      %dma_start3A_304 = arith.constant 0 : i32
      %dma_start3A_305 = tpu.memref_slice %arg6[%arg0, %add3A_286, %dma_start3A_304] : memref<2x10112x128xf32, #tpu.memory_space<hbm>> -> memref<1x128x128xf32, #tpu.memory_space<hbm>>
      %dma_start3A_306 = tpu.memref_squeeze %dma_start3A_305 : memref<1x128x128xf32, #tpu.memory_space<hbm>> -> memref<128x128xf32, #tpu.memory_space<hbm>>
      %dma_start3A_307 = arith.constant 0 : i32
      %dma_start3A_308 = tpu.memref_slice %arg7[%add3A_284, %dma_start3A_307] : memref<10112x128xf32, #tpu.memory_space<vmem_shared>> -> memref<128x128xf32, #tpu.memory_space<vmem_shared>>
      tpu.enqueue_dma source(%dma_start3A_308 : memref<128x128xf32, #tpu.memory_space<vmem_shared>>) target(%dma_start3A_306 : memref<128x128xf32, #tpu.memory_space<hbm>>) target_semaphore(%run_scoped3A_303 : memref<!tpu.dma_semaphore, #tpu.memory_space<semaphore_mem>>)
      %dma_wait3A_309 = arith.constant 0 : i32
      %dma_wait3A_310 = tpu.memref_slice %arg6[%arg0, %add3A_286, %dma_wait3A_309] : memref<2x10112x128xf32, #tpu.memory_space<hbm>> -> memref<1x128x128xf32, #tpu.memory_space<hbm>>
      %dma_wait3A_311 = tpu.memref_squeeze %dma_wait3A_310 : memref<1x128x128xf32, #tpu.memory_space<hbm>> -> memref<128x128xf32, #tpu.memory_space<hbm>>
      %dma_wait3A_312 = arith.constant 0 : i32
      %dma_wait3A_313 = tpu.memref_slice %arg7[%add3A_284, %dma_wait3A_312] : memref<10112x128xf32, #tpu.memory_space<vmem_shared>> -> memref<128x128xf32, #tpu.memory_space<vmem_shared>>
      tpu.wait_dma2 semaphore(%run_scoped3A_303 : memref<!tpu.dma_semaphore, #tpu.memory_space<semaphore_mem>>) src(%dma_wait3A_313 : memref<128x128xf32, #tpu.memory_space<vmem_shared>>) dst(%dma_wait3A_311 : memref<128x128xf32, #tpu.memory_space<hbm>>)
      tpu.yield
    }) : () -> ()
    %add3A_287 = arith.constant 128 : i32
    %add3A_288 = arith.addi %mul3A_8, %add3A_287 : i32
    %add3A_289 = arith.constant 128 : i32
    %add3A_290 = arith.addi %mul3A_8, %add3A_289 : i32
    "tpu.region"() ({
      %run_scoped3A_303 = tpu.sem_alloc : memref<!tpu.dma_semaphore, #tpu.memory_space<semaphore_mem>>
      %dma_start3A_304 = arith.constant 0 : i32
      %dma_start3A_305 = tpu.memref_slice %arg6[%arg0, %add3A_290, %dma_start3A_304] : memref<2x10112x128xf32, #tpu.memory_space<hbm>> -> memref<1x128x128xf32, #tpu.memory_space<hbm>>
      %dma_start3A_306 = tpu.memref_squeeze %dma_start3A_305 : memref<1x128x128xf32, #tpu.memory_space<hbm>> -> memref<128x128xf32, #tpu.memory_space<hbm>>
      %dma_start3A_307 = arith.constant 0 : i32
      %dma_start3A_308 = tpu.memref_slice %arg7[%add3A_288, %dma_start3A_307] : memref<10112x128xf32, #tpu.memory_space<vmem_shared>> -> memref<128x128xf32, #tpu.memory_space<vmem_shared>>
      tpu.enqueue_dma source(%dma_start3A_308 : memref<128x128xf32, #tpu.memory_space<vmem_shared>>) target(%dma_start3A_306 : memref<128x128xf32, #tpu.memory_space<hbm>>) target_semaphore(%run_scoped3A_303 : memref<!tpu.dma_semaphore, #tpu.memory_space<semaphore_mem>>)
      %dma_wait3A_309 = arith.constant 0 : i32
      %dma_wait3A_310 = tpu.memref_slice %arg6[%arg0, %add3A_290, %dma_wait3A_309] : memref<2x10112x128xf32, #tpu.memory_space<hbm>> -> memref<1x128x128xf32, #tpu.memory_space<hbm>>
      %dma_wait3A_311 = tpu.memref_squeeze %dma_wait3A_310 : memref<1x128x128xf32, #tpu.memory_space<hbm>> -> memref<128x128xf32, #tpu.memory_space<hbm>>
      %dma_wait3A_312 = arith.constant 0 : i32
      %dma_wait3A_313 = tpu.memref_slice %arg7[%add3A_288, %dma_wait3A_312] : memref<10112x128xf32, #tpu.memory_space<vmem_shared>> -> memref<128x128xf32, #tpu.memory_space<vmem_shared>>
      tpu.wait_dma2 semaphore(%run_scoped3A_303 : memref<!tpu.dma_semaphore, #tpu.memory_space<semaphore_mem>>) src(%dma_wait3A_313 : memref<128x128xf32, #tpu.memory_space<vmem_shared>>) dst(%dma_wait3A_311 : memref<128x128xf32, #tpu.memory_space<hbm>>)
      tpu.yield
    }) : () -> ()
    %add3A_291 = arith.constant 256 : i32
    %add3A_292 = arith.addi %mul3A_8, %add3A_291 : i32
    %add3A_293 = arith.constant 256 : i32
    %add3A_294 = arith.addi %mul3A_8, %add3A_293 : i32
    "tpu.region"() ({
      %run_scoped3A_303 = tpu.sem_alloc : memref<!tpu.dma_semaphore, #tpu.memory_space<semaphore_mem>>
      %dma_start3A_304 = arith.constant 0 : i32
      %dma_start3A_305 = tpu.memref_slice %arg6[%arg0, %add3A_294, %dma_start3A_304] : memref<2x10112x128xf32, #tpu.memory_space<hbm>> -> memref<1x128x128xf32, #tpu.memory_space<hbm>>
      %dma_start3A_306 = tpu.memref_squeeze %dma_start3A_305 : memref<1x128x128xf32, #tpu.memory_space<hbm>> -> memref<128x128xf32, #tpu.memory_space<hbm>>
      %dma_start3A_307 = arith.constant 0 : i32
      %dma_start3A_308 = tpu.memref_slice %arg7[%add3A_292, %dma_start3A_307] : memref<10112x128xf32, #tpu.memory_space<vmem_shared>> -> memref<128x128xf32, #tpu.memory_space<vmem_shared>>
      tpu.enqueue_dma source(%dma_start3A_308 : memref<128x128xf32, #tpu.memory_space<vmem_shared>>) target(%dma_start3A_306 : memref<128x128xf32, #tpu.memory_space<hbm>>) target_semaphore(%run_scoped3A_303 : memref<!tpu.dma_semaphore, #tpu.memory_space<semaphore_mem>>)
      %dma_wait3A_309 = arith.constant 0 : i32
      %dma_wait3A_310 = tpu.memref_slice %arg6[%arg0, %add3A_294, %dma_wait3A_309] : memref<2x10112x128xf32, #tpu.memory_space<hbm>> -> memref<1x128x128xf32, #tpu.memory_space<hbm>>
      %dma_wait3A_311 = tpu.memref_squeeze %dma_wait3A_310 : memref<1x128x128xf32, #tpu.memory_space<hbm>> -> memref<128x128xf32, #tpu.memory_space<hbm>>
      %dma_wait3A_312 = arith.constant 0 : i32
      %dma_wait3A_313 = tpu.memref_slice %arg7[%add3A_292, %dma_wait3A_312] : memref<10112x128xf32, #tpu.memory_space<vmem_shared>> -> memref<128x128xf32, #tpu.memory_space<vmem_shared>>
      tpu.wait_dma2 semaphore(%run_scoped3A_303 : memref<!tpu.dma_semaphore, #tpu.memory_space<semaphore_mem>>) src(%dma_wait3A_313 : memref<128x128xf32, #tpu.memory_space<vmem_shared>>) dst(%dma_wait3A_311 : memref<128x128xf32, #tpu.memory_space<hbm>>)
      tpu.yield
    }) : () -> ()
    %add3A_295 = arith.constant 384 : i32
    %add3A_296 = arith.addi %mul3A_8, %add3A_295 : i32
    %add3A_297 = arith.constant 384 : i32
    %add3A_298 = arith.addi %mul3A_8, %add3A_297 : i32
    "tpu.region"() ({
      %run_scoped3A_303 = tpu.sem_alloc : memref<!tpu.dma_semaphore, #tpu.memory_space<semaphore_mem>>
      %dma_start3A_304 = arith.constant 0 : i32
      %dma_start3A_305 = tpu.memref_slice %arg6[%arg0, %add3A_298, %dma_start3A_304] : memref<2x10112x128xf32, #tpu.memory_space<hbm>> -> memref<1x128x128xf32, #tpu.memory_space<hbm>>
      %dma_start3A_306 = tpu.memref_squeeze %dma_start3A_305 : memref<1x128x128xf32, #tpu.memory_space<hbm>> -> memref<128x128xf32, #tpu.memory_space<hbm>>
      %dma_start3A_307 = arith.constant 0 : i32
      %dma_start3A_308 = tpu.memref_slice %arg7[%add3A_296, %dma_start3A_307] : memref<10112x128xf32, #tpu.memory_space<vmem_shared>> -> memref<128x128xf32, #tpu.memory_space<vmem_shared>>
      tpu.enqueue_dma source(%dma_start3A_308 : memref<128x128xf32, #tpu.memory_space<vmem_shared>>) target(%dma_start3A_306 : memref<128x128xf32, #tpu.memory_space<hbm>>) target_semaphore(%run_scoped3A_303 : memref<!tpu.dma_semaphore, #tpu.memory_space<semaphore_mem>>)
      %dma_wait3A_309 = arith.constant 0 : i32
      %dma_wait3A_310 = tpu.memref_slice %arg6[%arg0, %add3A_298, %dma_wait3A_309] : memref<2x10112x128xf32, #tpu.memory_space<hbm>> -> memref<1x128x128xf32, #tpu.memory_space<hbm>>
      %dma_wait3A_311 = tpu.memref_squeeze %dma_wait3A_310 : memref<1x128x128xf32, #tpu.memory_space<hbm>> -> memref<128x128xf32, #tpu.memory_space<hbm>>
      %dma_wait3A_312 = arith.constant 0 : i32
      %dma_wait3A_313 = tpu.memref_slice %arg7[%add3A_296, %dma_wait3A_312] : memref<10112x128xf32, #tpu.memory_space<vmem_shared>> -> memref<128x128xf32, #tpu.memory_space<vmem_shared>>
      tpu.wait_dma2 semaphore(%run_scoped3A_303 : memref<!tpu.dma_semaphore, #tpu.memory_space<semaphore_mem>>) src(%dma_wait3A_313 : memref<128x128xf32, #tpu.memory_space<vmem_shared>>) dst(%dma_wait3A_311 : memref<128x128xf32, #tpu.memory_space<hbm>>)
      tpu.yield
    }) : () -> ()
    %add3A_299 = arith.constant 512 : i32
    %add3A_300 = arith.addi %mul3A_8, %add3A_299 : i32
    %add3A_301 = arith.constant 512 : i32
    %add3A_302 = arith.addi %mul3A_8, %add3A_301 : i32
    "tpu.region"() ({
      %run_scoped3A_303 = tpu.sem_alloc : memref<!tpu.dma_semaphore, #tpu.memory_space<semaphore_mem>>
      %dma_start3A_304 = arith.constant 0 : i32
      %dma_start3A_305 = tpu.memref_slice %arg6[%arg0, %add3A_302, %dma_start3A_304] : memref<2x10112x128xf32, #tpu.memory_space<hbm>> -> memref<1x120x128xf32, #tpu.memory_space<hbm>>
      %dma_start3A_306 = tpu.memref_squeeze %dma_start3A_305 : memref<1x120x128xf32, #tpu.memory_space<hbm>> -> memref<120x128xf32, #tpu.memory_space<hbm>>
      %dma_start3A_307 = arith.constant 0 : i32
      %dma_start3A_308 = tpu.memref_slice %arg7[%add3A_300, %dma_start3A_307] : memref<10112x128xf32, #tpu.memory_space<vmem_shared>> -> memref<120x128xf32, #tpu.memory_space<vmem_shared>>
      tpu.enqueue_dma source(%dma_start3A_308 : memref<120x128xf32, #tpu.memory_space<vmem_shared>>) target(%dma_start3A_306 : memref<120x128xf32, #tpu.memory_space<hbm>>) target_semaphore(%run_scoped3A_303 : memref<!tpu.dma_semaphore, #tpu.memory_space<semaphore_mem>>)
      %dma_wait3A_309 = arith.constant 0 : i32
      %dma_wait3A_310 = tpu.memref_slice %arg6[%arg0, %add3A_302, %dma_wait3A_309] : memref<2x10112x128xf32, #tpu.memory_space<hbm>> -> memref<1x120x128xf32, #tpu.memory_space<hbm>>
      %dma_wait3A_311 = tpu.memref_squeeze %dma_wait3A_310 : memref<1x120x128xf32, #tpu.memory_space<hbm>> -> memref<120x128xf32, #tpu.memory_space<hbm>>
      %dma_wait3A_312 = arith.constant 0 : i32
      %dma_wait3A_313 = tpu.memref_slice %arg7[%add3A_300, %dma_wait3A_312] : memref<10112x128xf32, #tpu.memory_space<vmem_shared>> -> memref<120x128xf32, #tpu.memory_space<vmem_shared>>
      tpu.wait_dma2 semaphore(%run_scoped3A_303 : memref<!tpu.dma_semaphore, #tpu.memory_space<semaphore_mem>>) src(%dma_wait3A_313 : memref<120x128xf32, #tpu.memory_space<vmem_shared>>) dst(%dma_wait3A_311 : memref<120x128xf32, #tpu.memory_space<hbm>>)
      tpu.yield
    }) : () -> ()
    return
  }
}

module attributes {stable_mosaic.version = 14 : i64} {
  func.func @body(%arg0: memref<2x10112x128xf32, #tpu.memory_space<vmem>>, %arg1: memref<10000x128xf32, #tpu.memory_space<vmem>>, %arg2: memref<128x128xf32, #tpu.memory_space<vmem>>, %arg3: memref<128xf32, #tpu.memory_space<vmem>>, %arg4: memref<128x128xf32, #tpu.memory_space<vmem>>, %arg5: memref<128xf32, #tpu.memory_space<vmem>>, %arg6: memref<128xf32, #tpu.memory_space<vmem>>, %arg7: memref<10000x128xf32, #tpu.memory_space<vmem>>) attributes {dimension_semantics = [], scalar_prefetch = 0 : i64, scratch_operands = 0 : i64, tpu.core_type = #tpu.core_type<tc>} {
    %get3A = arith.constant 0 : index
    %get3A_0 = arith.constant 0 : index
    %get3A_1 = arith.constant 0 : index
    %get3A_2 = vector.load %arg0[%get3A, %get3A_0, %get3A_1] : memref<2x10112x128xf32, #tpu.memory_space<vmem>>, vector<1x10000x128xf32>
    %get3A_3 = vector.shape_cast %get3A_2 : vector<1x10000x128xf32> to vector<10000x128xf32>
    %get3A_4 = arith.constant 1 : index
    %get3A_5 = arith.constant 0 : index
    %get3A_6 = arith.constant 0 : index
    %get3A_7 = vector.load %arg0[%get3A_4, %get3A_5, %get3A_6] : memref<2x10112x128xf32, #tpu.memory_space<vmem>>, vector<1x10000x128xf32>
    %get3A_8 = vector.shape_cast %get3A_7 : vector<1x10000x128xf32> to vector<10000x128xf32>
    %add3A = arith.addf %get3A_3, %get3A_8 : vector<10000x128xf32>
    %get3A_9 = arith.constant 0 : index
    %get3A_10 = arith.constant 0 : index
    %get3A_11 = vector.load %arg2[%get3A_9, %get3A_10] : memref<128x128xf32, #tpu.memory_space<vmem>>, vector<128x128xf32>
    %transpose3A = tpu.transpose %get3A_11, [1, 0] : vector<128x128xf32> -> vector<128x128xf32>
    %dot_general3A = arith.constant dense<0.000000e+00> : vector<10000x128xf32>
    %dot_general3A_12 = tpu.matmul %add3A, %transpose3A, %dot_general3A {dimension_numbers = #tpu.dot_dimension_numbers<[1], [0], [0], [1], [0, 0, 1, 1], [], []>, transpose_lhs_hint = false} : vector<10000x128xf32>, vector<128x128xf32>, vector<10000x128xf32> -> vector<10000x128xf32>
    %get3A_13 = arith.constant 0 : index
    %get3A_14 = vector.load %arg3[%get3A_13] : memref<128xf32, #tpu.memory_space<vmem>>, vector<128xf32>
    %broadcast_in_dim3A = vector.shape_cast %get3A_14 : vector<128xf32> to vector<1x128xf32>
    %add3A_15 = vector.broadcast %broadcast_in_dim3A : vector<1x128xf32> to vector<10000x128xf32>
    %add3A_16 = arith.addf %dot_general3A_12, %add3A_15 : vector<10000x128xf32>
    %get3A_17 = arith.constant 0 : index
    %get3A_18 = arith.constant 0 : index
    %get3A_19 = vector.load %arg1[%get3A_17, %get3A_18] : memref<10000x128xf32, #tpu.memory_space<vmem>>, vector<10000x128xf32>
    %get3A_20 = arith.constant 0 : index
    %get3A_21 = arith.constant 0 : index
    %get3A_22 = vector.load %arg4[%get3A_20, %get3A_21] : memref<128x128xf32, #tpu.memory_space<vmem>>, vector<128x128xf32>
    %transpose3A_23 = tpu.transpose %get3A_22, [1, 0] : vector<128x128xf32> -> vector<128x128xf32>
    %dot_general3A_24 = arith.constant dense<0.000000e+00> : vector<10000x128xf32>
    %dot_general3A_25 = tpu.matmul %get3A_19, %transpose3A_23, %dot_general3A_24 {dimension_numbers = #tpu.dot_dimension_numbers<[1], [0], [0], [1], [0, 0, 1, 1], [], []>, transpose_lhs_hint = false} : vector<10000x128xf32>, vector<128x128xf32>, vector<10000x128xf32> -> vector<10000x128xf32>
    %add3A_26 = arith.addf %add3A_16, %dot_general3A_25 : vector<10000x128xf32>
    %reduce_sum3A = arith.constant dense<0.000000e+00> : vector<128xf32>
    %reduce_sum3A_27 = vector.multi_reduction <add>, %add3A_26, %reduce_sum3A [0] : vector<10000x128xf32> to vector<128xf32>
    %div3A = arith.constant 1.000000e+04 : f32
    %div3A_28 = vector.broadcast %div3A : f32 to vector<128xf32>
    %div3A_29 = arith.divf %reduce_sum3A_27, %div3A_28 : vector<128xf32>
    %broadcast_in_dim3A_30 = vector.shape_cast %div3A_29 : vector<128xf32> to vector<1x128xf32>
    %sub3A = vector.broadcast %broadcast_in_dim3A_30 : vector<1x128xf32> to vector<10000x128xf32>
    %sub3A_31 = arith.subf %add3A_26, %sub3A : vector<10000x128xf32>
    %mul3A = arith.mulf %sub3A_31, %sub3A_31 : vector<10000x128xf32>
    %reduce_sum3A_32 = arith.constant dense<0.000000e+00> : vector<128xf32>
    %reduce_sum3A_33 = vector.multi_reduction <add>, %mul3A, %reduce_sum3A_32 [0] : vector<10000x128xf32> to vector<128xf32>
    %div3A_34 = arith.constant 1.000000e+04 : f32
    %div3A_35 = vector.broadcast %div3A_34 : f32 to vector<128xf32>
    %div3A_36 = arith.divf %reduce_sum3A_33, %div3A_35 : vector<128xf32>
    %add3A_37 = arith.constant 9.99999974E-6 : f32
    %add3A_38 = vector.broadcast %add3A_37 : f32 to vector<128xf32>
    %add3A_39 = arith.addf %div3A_36, %add3A_38 : vector<128xf32>
    %rsqrt3A = math.rsqrt %add3A_39 : vector<128xf32>
    %broadcast_in_dim3A_40 = vector.shape_cast %rsqrt3A : vector<128xf32> to vector<1x128xf32>
    %mul3A_41 = vector.broadcast %broadcast_in_dim3A_40 : vector<1x128xf32> to vector<10000x128xf32>
    %mul3A_42 = arith.mulf %sub3A_31, %mul3A_41 : vector<10000x128xf32>
    %get3A_43 = arith.constant 0 : index
    %get3A_44 = vector.load %arg5[%get3A_43] : memref<128xf32, #tpu.memory_space<vmem>>, vector<128xf32>
    %broadcast_in_dim3A_45 = vector.shape_cast %get3A_44 : vector<128xf32> to vector<1x128xf32>
    %mul3A_46 = vector.broadcast %broadcast_in_dim3A_45 : vector<1x128xf32> to vector<10000x128xf32>
    %mul3A_47 = arith.mulf %mul3A_42, %mul3A_46 : vector<10000x128xf32>
    %get3A_48 = arith.constant 0 : index
    %get3A_49 = vector.load %arg6[%get3A_48] : memref<128xf32, #tpu.memory_space<vmem>>, vector<128xf32>
    %broadcast_in_dim3A_50 = vector.shape_cast %get3A_49 : vector<128xf32> to vector<1x128xf32>
    %add3A_51 = vector.broadcast %broadcast_in_dim3A_50 : vector<1x128xf32> to vector<10000x128xf32>
    %add3A_52 = arith.addf %mul3A_47, %add3A_51 : vector<10000x128xf32>
    %max3A = arith.constant 0.000000e+00 : f32
    %max3A_53 = vector.broadcast %max3A : f32 to vector<10000x128xf32>
    %max3A_54 = arith.maximumf %add3A_52, %max3A_53 : vector<10000x128xf32>
    %swap3A = arith.constant 0 : index
    %swap3A_55 = arith.constant 0 : index
    %swap3A_56 = vector.load %arg7[%swap3A, %swap3A_55] : memref<10000x128xf32, #tpu.memory_space<vmem>>, vector<10000x128xf32>
    tpu.vector_store %arg7[%swap3A, %swap3A_55], %max3A_54 {strides = array<i32>} : memref<10000x128xf32, #tpu.memory_space<vmem>>, vector<10000x128xf32>,
    return
  }
}

</mosaic_0001>

<sc_bundles>
// kernel: kernel.4.cloned.1.call-start
scs
__scs_entry_jumppad:
0x0: {  	(pc) =	sbr.rel $0x88, $3  }
0x1: {  	(tag) =	ssettag $0x0;
	lr =	simm.s32 $0x1  }
0x2: {  	[smem:$0x3F9A] =	sst lr;
	_ =	strace $0xD0000000  }
0x3: {  	_ = 	snop  }
0x4: {  	_ = 	snop  }
0x5: {  	_ = 	snop  }
0x6: {  	_ = 	snop  }
0x7: {  	_ = 	snop  }
__scs_overlays_trampoline_lowered:
0x8: {  	[smem:$0x3FA9] =	sst s0  }
0x9: {  	[smem:$0x3FAA] =	sst s1  }
0xa: {  	[smem:$0x3FAB] =	sst s2  }
0xb: {  	[smem:$0x3FAC] =	sst s3  }
0xc: {  	[smem:$0x3FAD] =	sst s4  }
0xd: {  	[smem:$0x3FAE] =	sst s5  }
0xe: {  	[smem:$0x3FAF] =	sst s6  }
0xf: {  	[smem:$0x3FB0] =	sst s7  }
0x10: {  	[smem:$0x3FB1] =	sst s8  }
0x11: {  	[smem:$0x3FB2] =	sst s9;
	s0 =	simm.s32 @!p0 $0x0  }
0x12: {  	s1 =	sld [smem:$0x3F98];
	s0 =	simm.s32 @p0 $0x1  }
0x13: {  	[smem:$0x3FB3] =	sst s0;
	s0 =	simm.s32 @!p1 $0x0  }
0x14: {  	s2 =	sld [smem:$0x3F97];
	s0 =	simm.s32 @p1 $0x1  }
0x15: {  	[smem:$0x3FB4] =	sst s0;
	s0 =	simm.s32 @!p2 $0x0  }
0x16: {  	s3 =	sld [smem:$0x3FDB];
	s0 =	simm.s32 @p2 $0x1  }
0x17: {  	s4 =	simm.s32 $0x1BF5;
	[smem:$0x3FB6] =	sst s0  }
0x18: {  	s0 =	sld [smem:$0x3F99];
	_ =	swait.ge [sflag:s4], $0x0  }
0x19: {  	s7 =	sld [smem:$0x3F9A]  }
0x1a: {  	s8 =	sadd.s32 $0xFFFFE003, lr  }
0x1b: {  	s9 =	sadd.s32 $0xFFFFFEF7, lr;
	s5 =	simm.s32 $0xFFFFFFFF;
	p2 =	slt.u32 s8, $0xFFFFF086  }
0x1c: {  	p1 =	slt.u32 s9, $0xF7A;
	s5 =	simm.s32 @!p2 $0x0  }
0x1d: {  	s5 =	simm.s32 @p1 $0x1;
	p0 =	seq.s32 s7, s2  }
0x1e: {  	s7 =	smul.u32 @!p0 $0xF7A, s2;
	p2 =	seq.s32 @!p0 s5, $0x0  }
0x1f: {  	s9 =	smul.u32 $0xF7A, s1;
	s8 =	simm.s32 @!p0 $0x1BF5;
	p2 =	por !p2, p0  }
0x20: {  	[sflag:s8] =	ssyncset.s32 @!p0 $0xFFFFF086;
	s6 =	sadd.s32 @!p0 s3, s7;
	s7 =	simm.s32 @!p0 $0x108  }
0x21: {  	s3 =	sadd.s32 s3, s9;
	s6 =	sadd.s32 @!p0 $0x88, s6;
	s7 =	simm.s32 @p2 $0x1082  }
0x22: {  	[simem:s7], [sflag:s8] =	dma.local @!p0 [hbm:s6], $0xF7A  }
0x23: {  	s9 =	sor.u32 $0xD0000000, s2;
	s6 =	simm.s32 $0x108;
	_ =	swait.ge @!p0 [sflag:s8], $0x0  }
0x24: {  	s3 =	sadd.s32 $0x88, s3;
	s6 =	simm.s32 @!p1 $0x1082;
	[sflag:s4] =	ssyncset.s32 $0xFFFFF086  }
0x25: {  	[simem:s6], [sflag:s4] =	dma.local [hbm:s3], $0xF7A  }
0x26: {  	[smem:$0x3F9A] =	sst s1;
	(tag) =	ssettag s2;
	_ =	strace s9  }
0x27: {  	s1 =	sld [smem:$0x3FAA]  }
0x28: {  	s2 =	sld [smem:$0x3FAB]  }
0x29: {  	s4 =	sld [smem:$0x3FAD]  }
0x2a: {  	p0 =	seq.s32 s5, $0x0;
	s5 =	sld [smem:$0x3FAE]  }
0x2b: {  	s6 =	sld [smem:$0x3FAF]  }
0x2c: {  	s7 =	sld [smem:$0x3FB0]  }
0x2d: {  	s3 =	simm.s32 $0x108;
	s8 =	sld [smem:$0x3FB1]  }
0x2e: {  	s3 =	simm.s32 @!p0 $0x1082;
	s9 =	sld [smem:$0x3FB2]  }
0x2f: {  	lr =	sadd.s32 s0, s3;
	s0 =	sld [smem:$0x3FA9]  }
0x30: {  	s3 =	sld [smem:$0x3FAC]  }
0x31: {  	[smem:$0x3FB5] =	sst s10  }
0x32: {  	s10 =	sld [smem:$0x3FB3];
	_ =	sdelay $0x3  }
0x33: {  	p0 =	seq.s32 s10, $0x1;
	s10 =	sld [smem:$0x3FB5];
	_ =	sdelay $0x3  }
0x34: {  	[smem:$0x3FB5] =	sst s10  }
0x35: {  	s10 =	sld [smem:$0x3FB4];
	_ =	sdelay $0x3  }
0x36: {  	p1 =	seq.s32 s10, $0x1;
	s10 =	sld [smem:$0x3FB5];
	_ =	sdelay $0x3  }
0x37: {  	[smem:$0x3FB5] =	sst s10  }
0x38: {  	s10 =	sld [smem:$0x3FB6]  }
0x39: {  	_ = 	snop;
	(pc) =	sbr.ind lr, $3  }
0x3a: {  	_ = 	snop  }
0x3b: {  	_ = 	snop  }
0x3c: {  	p2 =	seq.s32 s10, $0x1;
	s10 =	sld [smem:$0x3FB5]  }
0x3d: {  	_ =	shalt  }
0x3e: {  	_ =	shalt  }
0x3f: {  	_ =	shalt  }
0x40: {  	_ =	shalt  }
0x41: {  	_ =	shalt  }
0x42: {  	_ =	shalt  }
0x43: {  	_ =	shalt  }
0x44: {  	_ =	shalt  }
0x45: {  	_ =	shalt  }
0x46: {  	_ =	shalt  }
0x47: {  	_ =	shalt  }
0x48: {  	_ =	shalt  }
0x49: {  	_ =	shalt  }
0x4a: {  	_ =	shalt  }
0x4b: {  	_ =	shalt  }
0x4c: {  	_ =	shalt  }
0x4d: {  	_ =	shalt  }
0x4e: {  	_ =	shalt  }
0x4f: {  	_ =	shalt  }
0x50: {  	_ =	shalt  }
0x51: {  	_ =	shalt  }
0x52: {  	_ =	shalt  }
0x53: {  	_ =	shalt  }
0x54: {  	_ =	shalt  }
0x55: {  	_ =	shalt  }
0x56: {  	_ =	shalt  }
0x57: {  	_ =	shalt  }
0x58: {  	_ =	shalt  }
0x59: {  	_ =	shalt  }
0x5a: {  	_ =	shalt  }
0x5b: {  	_ =	shalt  }
0x5c: {  	_ =	shalt  }
0x5d: {  	_ =	shalt  }
0x5e: {  	_ =	shalt  }
0x5f: {  	_ =	shalt  }
0x60: {  	_ =	shalt  }
0x61: {  	_ =	shalt  }
0x62: {  	_ =	shalt  }
0x63: {  	_ =	shalt  }
0x64: {  	_ =	shalt  }
0x65: {  	_ =	shalt  }
0x66: {  	_ =	shalt  }
0x67: {  	_ =	shalt  }
0x68: {  	_ =	shalt  }
0x69: {  	_ =	shalt  }
0x6a: {  	_ =	shalt  }
0x6b: {  	_ =	shalt  }
0x6c: {  	_ =	shalt  }
0x6d: {  	_ =	shalt  }
0x6e: {  	_ =	shalt  }
0x6f: {  	_ =	shalt  }
0x70: {  	_ =	shalt  }
0x71: {  	_ =	shalt  }
0x72: {  	_ =	shalt  }
0x73: {  	_ =	shalt  }
0x74: {  	_ =	shalt  }
0x75: {  	_ =	shalt  }
0x76: {  	_ =	shalt  }
0x77: {  	_ =	shalt  }
0x78: {  	_ =	shalt  }
0x79: {  	_ =	shalt  }
0x7a: {  	_ =	shalt  }
0x7b: {  	_ =	shalt  }
0x7c: {  	_ =	shalt  }
0x7d: {  	_ =	shalt  }
0x7e: {  	_ =	shalt  }
0x7f: {  	_ =	shalt  }
0x80: {  	_ =	shalt  }
0x81: {  	_ =	shalt  }
0x82: {  	_ =	shalt  }
0x83: {  	_ =	shalt  }
0x84: {  	_ =	shalt  }
0x85: {  	_ =	shalt  }
0x86: {  	_ =	shalt  }
0x87: {  	_ =	shalt  }
.Lfunc_end0:
.L_simem_size_0:
called_computation_lowered:
.L_overlay_start_0:
0x88: {  	s2 =	sld [smem:$0x3FD9]  }
0x89: {  	s3 =	sld [smem:$0x3FFE];
	_ =	sdelay $0x1  }
0x8a: {  	s1 =	srdreg.scid  }
0x8b: {  	s0 =	sand.u32 $0x1, s1  }
0x8c: {  	s17 =	sshll.u32 s0, $0xA;
	s2 =	sadd.s32 s3, s2  }
0x8d: {  	s2 =	sadd.s32 s2, s17  }
0x8e: {  	[smem:$0x3FC1] =	sst s2  }
0x8f: {  	_ = 	snop  }
0x90: {  	s2 =	sld [smem:$0x3FC9]  }
0x91: {  	s18 =	sld [smem:$0x3FD0];
	(tm) =	ssettm $0x1  }
0x92: {  	s4 =	sld [smem:$0x3FFB];
	_ =	sdelay $0x3  }
0x93: {  	_ =	strace s4  }
0x94: {  	s4 =	sld [smem:$0x3FFC];
	_ =	sdelay $0x3  }
0x95: {  	_ =	strace s4  }
0x96: {  	s4 =	sld [smem:$0x3FFD];
	_ =	sdelay $0x3  }
0x97: {  	_ =	strace s4  }
0x98: {  	_ =	strace $0x8FFFFFFF  }
0x99: {  	s19 =	sld [smem:$0x3FDB];
	_ =	sdelay $0x1  }
0x9a: {  	s5 =	simm.s32 $_scs_section_size  }
0x9b: {  	s6 =	simm.s32 $_size__tile_overlayer_lowered;
	s7 =	simm.s32 $_tile_overlayer_lowered  }
0x9c: {  	s22 =	simm.s32 $0x1BFF;
	s21 =	sshll.u32 s7, $0x1;
	s4 =	sadd.s32 s5, s19  }
0x9d: {  	s8 =	simm.s32 $0x0;
	s20 =	sshll.u32 s6, $0x1;
	s6 =	sadd.s32 s21, s4  }
0x9e: {  	[timem:s8], [sflag:s22] =	dma.local [hbm:s6], s20  }
0x9f: {  	_ =	swait.ge [sflag:s22], s20  }
0xa0: {  	s5 =	ssub.s32 $0x0, s20;
	[sflag:s22] =	ssyncset.done $0x0  }
0xa1: {  	[sflag:s22] =	ssyncadd.s32 s5;
	_ =	sdelay $0x1  }
0xa2: {  	s23 =	simm.s32 $0x1B8B  }
0xa3: {  	_ =	swait.ge [sflag:s23], $0x1  }
0xa4: {  	[sflag:s23] =	ssyncset.done $0x0  }
0xa5: {  	s25 =	simm.s32 $0x1B8E;
	s24 =	sld [smem:$0x3FFE];
	[sflag:s23] =	ssyncadd.s32 $0xFFFFFFFF  }
0xa6: {  	s26 =	simm.s32 $execute0_lowered;
	[smem:$0x3FD2] =	sst s25  }
0xa7: {  	s6 =	sshll.u32 s26, $0x1;
	_ =	strace $0x80000046;
	[dreg:$0x1] =	wrdreg $0xFFFFFFFF  }
0xa8: {  	s28 =	simm.s32 $_size_execute0_lowered;
	s4 =	sadd.s32 s4, s6;
	[dreg:$0x0] =	wrdreg $0x0  }
0xa9: {  	s6 =	sshll.u32 s28, $0x1;
	[dreg:$0x2] =	wrdreg s4  }
0xaa: {  	[dreg:$0x3] =	wrdreg s6  }
0xab: {  	[dreg:$0x4] =	wrdreg $0xC0  }
0xac: {  	_ =	task [dreg:s8], $0x5FFFF  }
0xad: {  	[dreg:$0x1] =	wrdreg $0xFFFFFFFF  }
0xae: {  	[dreg:$0x0] =	wrdreg $0x60  }
0xaf: {  	[dreg:$0x2] =	wrdreg s2  }
0xb0: {  	[dreg:$0x3] =	wrdreg s18  }
0xb1: {  	[dreg:$0x4] =	wrdreg s24  }
0xb2: {  	[dreg:$0x5] =	wrdreg $0x0  }
0xb3: {  	[dreg:$0x6] =	wrdreg $0x9  }
0xb4: {  	_ =	task.clear_ibuf [dreg:s8], $0x7FFFF;
	_ =	strace $0x90000046  }
0xb5: {  	s29 =	simm.s32 $0x9;
	_ =	strace $0x80000048  }
0xb6: {  	_ =	swait.ge [sflag:s29], $0x1  }
0xb7: {  	[sflag:s29] =	ssyncadd.s32 $0xFFFFFFFF  }
0xb8: {  	_ =	strace $0x90000048  }
0xb9: {  	_ =	sfence  }
0xba: {  	s30 =	sld [smem:$0x0];
	_ =	sdelay $0x2  }
0xbb: {  	s31 =	sshll.u32 s1, $0xD;
	s1 =	sshrl.u32 s1, $0x2  }
0xbc: {  	s3 =	sand.u32 $0x4000, s31;
	s1 =	sadd.s32 s1, s30  }
0xbd: {  	s0 =	sor.u32 s3, s0;
	s1 =	sshll.u32 s1, $0x11  }
0xbe: {  	s0 =	sor.u32 s1, s0  }
0xbf: {  	s0 =	sadd.s32 $0x8F2B, s0  }
0xc0: {  	[sflag:s0] =	ssyncadd.remote.s32 $0x1  }
0xc1: {  	_ =	sfence.sel $0xFFFF  }
0xc2: {  	[dreg:$0x0] =	wrdreg $0xFFFFFFFF;
	(pc) =	sbr.abs _section_cstart, $3  }
0xc3: {  	[dreg:$0x1] =	wrdreg $0xFFFFFFFF  }
0xc4: {  	_ =	task.clear_ibuf [dreg:s8], $0x2FFFF;
	_ =	strace $0x9FFFFFFF  }
0xc5: {  	(tm) =	ssettm $0x7FFFFFFF  }
tec
execute0_lowered:
.L_overlay_start_1:
0x0: {  	(tag) =	ssettag $0x1  }
0x1: {  	s1 =	rddreg [dreg:$0x0]  }
0x2: {  	s0 =	srdreg.scid;
	s2 =	rddreg [dreg:$0x1]  }
0x3: {  	s18 =	stileid.u32;
	s3 =	rddreg [dreg:$0x2];
	s29 =	simm.s32 $0x14000  }
0x4: {  	s30 =	simm.s32 $0x13E00;
	s28 =	simm.s32 $0x13E80;
	s5 =	sand.u32 $0x1, s0  }
0x5: {  	s10 =	smul.u32 $0x13C00, s18;
	s12 =	sadd.s32 $0x2600, s3;
	s6 =	sshll.u32 s18, $0x7  }
0x6: {  	s17 =	sadd.s32 $0x20C0, s3;
	s0 =	sshll.u32 s5, $0x4;
	s4 =	ssub.s32 $0x2, s5  }
0x7: {  	s13 =	sand.u32 $0x380, s6;
	s16 =	smul.u32 $0x13C000, s5;
	s9 =	sor.u32 s18, s0  }
0x8: {  	s22 =	sshrl.u32 s4, $0x1;
	s6 =	sadd.s32 $0x8000, s10;
	s7 =	sadd.s32 $0xC000, s10  }
0x9: {  	s11 =	smul.u32 $0x2880, s9;
	s0 =	ssub.s32 s4, s22;
	s4 =	sadd.s32 $0x4000, s10  }
0xa: {  	p0 =	seq.s32 s9, $0x1F;
	s9 =	sadd.s32 $0x1AB0, s3;
	s26 =	sadd.s32 s16, s6  }
0xb: {  	s31 =	sadd.s32 s16, s7;
	s25 =	sadd.s32 s16, s4;
	s0 =	smax.u32 s0, $0x1  }
0xc: {  	s8 =	sand.u32 $0x7FC00, s11;
	s24 =	sshrl.u32 s11, $0x3;
	s15 =	sadd.s32 $0x4E480, s11  }
0xd: {  	s11 =	sadd.s32 $0x4E500, s11;
	s13 =	sor.u32 s13, s8;
	s8 =	sadd.s32 $0x10000, s10  }
0xe: {  	s15 =	sshrl.u32 s15, $0x3;
	s11 =	sshrl.u32 s11, $0x3;
	s10 =	sadd.s32 s10, s16  }
0xf: {  	s14 =	sshrl.u32 s13, $0x3;
	s13 =	sadd.s32 $0x4E400, s13;
	s22 =	sadd.s32 s2, s15  }
0x10: {  	s15 =	sadd.s32 $0x1AC0, s3;
	s10 =	sshrl.u32 s10, $0x3;
	s16 =	sadd.s32 s16, s8  }
0x11: {  	s19 =	sadd.s32 s2, s14;
	s23 =	sshrl.u32 s13, $0x3;
	s14 =	sadd.s32 $0x20B0, s3  }
0x12: {  	s13 =	sadd.s32 s2, s24;
	s24 =	sadd.s32 s2, s11;
	s11 =	sadd.s32 $0x1AD0, s3  }
0x13: {  	s10 =	sadd.s32 s12, s10;
	s22 =	smov.u32 @p0 s17;
	s17 =	rddreg [dreg:$0x3]  }
0x14: {  	s20 =	sadd.s32 s2, s23;
	s21 =	sadd.s32 $0x10, s13;
	s23 =	sadd.s32 $0x20, s13  }
0x15: {  	[dreg:$0xb] =	wrdreg s10;
	s19 =	smov.u32 @p0 s9;
	s10 =	sshrl.u32 s25, $0x3  }
0x16: {  	s13 =	sshrl.u32 s26, $0x3;
	s9 =	sshrl.u32 s31, $0x3;
	[dreg:$0x8] =	wrdreg s22  }
0x17: {  	s22 =	smul.u32 $0x510, s18;
	[dreg:$0x5] =	wrdreg s19;
	s10 =	sadd.s32 s12, s10  }
0x18: {  	s13 =	sadd.s32 s12, s13;
	s9 =	sadd.s32 s12, s9;
	[dreg:$0xc] =	wrdreg s10  }
0x19: {  	s20 =	smov.u32 @p0 s14;
	s19 =	smul.u32 $0x28800, s5;
	[dreg:$0xd] =	wrdreg s13  }
0x1a: {  	s21 =	smov.u32 @p0 s15;
	s23 =	smov.u32 @p0 s11;
	[dreg:$0xe] =	wrdreg s9  }
0x1b: {  	s14 =	simm.s32 $0x0;
	[dreg:$0x6] =	wrdreg s20;
	s20 =	smul.u32 $0x2880, s18  }
0x1c: {  	s11 =	simm.s32 $0x18000;
	[dreg:$0x7] =	wrdreg s21;
	s21 =	smul.u32 $0x5100, s5  }
0x1d: {  	s9 =	sshrl.u32 s16, $0x3;
	[dreg:$0x9] =	wrdreg s23;
	s5 =	smul.u32 $0x510, s5  }
0x1e: {  	[smem:$0x7FF] =	sst s14;
	s23 =	smul.u32 $0x51, s18;
	s16 =	simm.s32 $0x13C00  }
0x1f: {  	s13 =	simm.s32 $0x1C000;
	s9 =	sadd.s32 s12, s9;
	s12 =	sadd.s32 $0x20D0, s3  }
0x20: {  	[dreg:$0xf] =	wrdreg s9;
	s24 =	smov.u32 @p0 s12;
	s15 =	sadd.s32 s20, s19  }
0x21: {  	s9 =	sadd.s32 s21, s2;
	s5 =	sadd.s32 s23, s5;
	s19 =	sadd.s32 $0x2000, s3  }
0x22: {  	s23 =	sadd.s32 s6, s17;
	s12 =	simm.s32 $0x1;
	s6 =	simm.s32 $0x3  }
0x23: {  	[dreg:$0xa] =	wrdreg s24;
	s24 =	smul.u32 $0x4F000, s18;
	s9 =	sadd.s32 s22, s9  }
0x24: {  	s31 =	sadd.s32 $0x5, s5;
	_ =	strace $0x80000047;
	[dreg:$0x15] =	wrdreg s0  }
0x25: {  	s18 =	sadd.s32 $0x1A00, s3;
	s22 =	sadd.s32 s4, s17;
	[dreg:$0x17] =	wrdreg s31  }
0x26: {  	s3 =	simm.s32 $0x13C80;
	s4 =	simm.s32 $0x13F00;
	[dreg:$0x11] =	wrdreg s22  }
0x27: {  	s5 =	simm.s32 $0x13D00;
	s26 =	sadd.s32 $0x50, s9;
	[dreg:$0x12] =	wrdreg s23  }
0x28: {  	s25 =	sshrl.u32 s24, $0x2;
	s24 =	sadd.s32 s7, s17;
	[dreg:$0x16] =	wrdreg s26  }
0x29: {  	s0 =	simm.s32 $0x2;
	s21 =	sadd.s32 s25, s17;
	[dreg:$0x13] =	wrdreg s24  }
0x2a: {  	s9 =	simm.s32 $0x80;
	s25 =	sadd.s32 s8, s17;
	[dreg:$0x10] =	wrdreg s21  }
0x2b: {  	v0 =	vimm.f32 $0.0e+00;
	s26 =	simm.s32 $0x4;
	s8 =	simm.s32 $0x0;
	[dreg:$0x14] =	wrdreg s25  }
.LBB2_1:
0x2c: {  	[dreg:$0x18] =	wrdreg s8;
	s8 =	simm.s32 $0x0;
	s20 =	simm.s32 $0x200  }
.LBB2_2:
0x2d: {  	p0 =	sne.s32 s20, $0xFE00;
	[tilespmem:s8+$0x14070] =	vst v0  }
0x2e: {  	[tilespmem:s8+$0x14000] =	vst v0  }
0x2f: {  	[tilespmem:s8+$0x14010] =	vst v0  }
.Ltmp0:
0x30: {  	[tilespmem:s8+$0x14020] =	vst v0;
	(pc) =	sbr.rel @p0 .LBB2_2-.Ltmp0, $4  }
0x31: {  	[tilespmem:s8+$0x14030] =	vst v0  }
0x32: {  	[tilespmem:s8+$0x14040] =	vst v0  }
0x33: {  	[tilespmem:s8+$0x14050] =	vst v0  }
0x34: {  	[tilespmem:s8+$0x14060] =	vst v0;
	s8 =	sshra.s32 s20, $0x2;
	s20 =	sadd.s32 $0x200, s20  }
0x35: {  	[tilespmem:s8+$0x14070] =	vst v0  }
0x36: {  	[tilespmem:s8+$0x14000] =	vst v0  }
0x37: {  	[tilespmem:s8+$0x14010] =	vst v0  }
0x38: {  	[tilespmem:s8+$0x14020] =	vst v0  }
0x39: {  	[tilespmem:s8+$0x14030] =	vst v0  }
0x3a: {  	[tilespmem:s8+$0x14040] =	vst v0  }
0x3b: {  	[tilespmem:s8+$0x14050] =	vst v0  }
0x3c: {  	[tilespmem:s8+$0x14060] =	vst v0  }
0x3d: {  	[spmem:s21] =	stream.linear.scatter [tilespmem:s29], [sflag:$0x4], $0x4000, $0x38;
	v63 =	vld [tilespmem:$0x0]  }
0x3e: {  	_ =	swait.ge [sflag:s26], $0x4000  }
0x3f: {  	[sflag:s26] =	ssyncset.done $0x0  }
0x40: {  	[sflag:s26] =	ssyncadd.s32 $0xFFFFC000  }
0x41: {  	[spmem:s22] =	stream.linear.scatter [tilespmem:s29], [sflag:$0x4], $0x4000, $0x38;
	v63 =	vld [tilespmem:$0x0]  }
0x42: {  	_ =	swait.ge [sflag:s26], $0x4000  }
0x43: {  	[sflag:s26] =	ssyncset.done $0x0  }
0x44: {  	[sflag:s26] =	ssyncadd.s32 $0xFFFFC000  }
0x45: {  	[spmem:s23] =	stream.linear.scatter [tilespmem:s29], [sflag:$0x4], $0x4000, $0x38;
	v63 =	vld [tilespmem:$0x0]  }
0x46: {  	_ =	swait.ge [sflag:s26], $0x4000  }
0x47: {  	[sflag:s26] =	ssyncset.done $0x0  }
0x48: {  	[sflag:s26] =	ssyncadd.s32 $0xFFFFC000  }
0x49: {  	[spmem:s24] =	stream.linear.scatter [tilespmem:s29], [sflag:$0x4], $0x4000, $0x38;
	v63 =	vld [tilespmem:$0x0]  }
0x4a: {  	_ =	swait.ge [sflag:s26], $0x4000  }
0x4b: {  	[sflag:s26] =	ssyncset.done $0x0  }
0x4c: {  	[sflag:s26] =	ssyncadd.s32 $0xFFFFC000  }
0x4d: {  	[spmem:s25] =	stream.linear.scatter [tilespmem:s29], [sflag:$0x4], $0x3C00, $0x38;
	v63 =	vld [tilespmem:$0x0]  }
0x4e: {  	_ =	swait.ge [sflag:s26], $0x3C00  }
0x4f: {  	[sflag:s26] =	ssyncset.done $0x0  }
0x50: {  	[sflag:s26] =	ssyncadd.s32 $0xFFFFC400  }
0x51: {  	[bflag:$0x0] =	sbarrier.arrive $0xFFFF  }
0x52: {  	s22 =	simm.s32 $0x0;
	s7 =	rddreg [dreg:$0x5]  }
0x53: {  	[tilespmem:s30], [sflag:$0x2] =	stream.linear.gather [hbm4b:s7+s22], $0x80, $0x38;
	v63 =	vld [tilespmem:$0x0]  }
0x54: {  	s23 =	rddreg [dreg:$0x6]  }
0x55: {  	[tilespmem:s16], [sflag:$0x2] =	stream.linear.gather [hbm4b:s23+s22], $0x80, $0x38;
	v63 =	vld [tilespmem:$0x0]  }
0x56: {  	_ =	swait.ge [sflag:s0], $0x80  }
0x57: {  	[sflag:s0] =	ssyncset.done $0x0  }
0x58: {  	[sflag:s0] =	ssyncadd.s32 $0xFFFFFF80  }
0x59: {  	_ =	swait.ge [sflag:s0], $0x80  }
0x5a: {  	[sflag:s0] =	ssyncset.done $0x0  }
0x5b: {  	[sflag:s0] =	ssyncadd.s32 $0xFFFFFF80  }
0x5c: {  	[tilespmem:s29], [sflag:$0x1] =	stream.indirect.gather [hbm4b:s1+s9], $0x80, s30, s9, $0xb8;
	v63 =	vld [tilespmem:$0x0]  }
0x5d: {  	s24 =	rddreg [dreg:$0x7]  }
0x5e: {  	[tilespmem:s28], [sflag:$0x2] =	stream.linear.gather [hbm4b:s24+s22], $0x80, $0x38;
	v63 =	vld [tilespmem:$0x0]  }
0x5f: {  	s25 =	rddreg [dreg:$0x8]  }
0x60: {  	[tilespmem:s3], [sflag:$0x2] =	stream.linear.gather [hbm4b:s25+s22], $0x80, $0x38;
	v63 =	vld [tilespmem:$0x0]  }
0x61: {  	_ =	swait.ge [sflag:s0], $0x80  }
0x62: {  	[sflag:s0] =	ssyncset.done $0x0  }
0x63: {  	[sflag:s0] =	ssyncadd.s32 $0xFFFFFF80  }
0x64: {  	_ =	swait.ge [sflag:s0], $0x80  }
0x65: {  	[sflag:s0] =	ssyncset.done $0x0  }
0x66: {  	[sflag:s0] =	ssyncadd.s32 $0xFFFFFF80  }
0x67: {  	[tilespmem:s11], [sflag:$0x1] =	stream.indirect.gather [hbm4b:s1+s9], $0x80, s28, s9, $0xb8;
	v63 =	vld [tilespmem:$0x0]  }
0x68: {  	_ =	swait.ge [sflag:s12], $0x4000  }
0x69: {  	[sflag:s12] =	ssyncset.done $0x0  }
0x6a: {  	[sflag:s12] =	ssyncadd.s32 $0xFFFFC000  }
0x6b: {  	[spmem:s17] =	stream.indirect.scatter.add.f32 [tilespmem:s29], [sflag:$0x3], $0x80, s16, s9, $0xb8;
	v63 =	vld [tilespmem:$0x0]  }
0x6c: {  	s26 =	rddreg [dreg:$0x9]  }
0x6d: {  	[tilespmem:s4], [sflag:$0x2] =	stream.linear.gather [hbm4b:s26+s22], $0x80, $0x38;
	v63 =	vld [tilespmem:$0x0]  }
0x6e: {  	s31 =	rddreg [dreg:$0xa]  }
0x6f: {  	[tilespmem:s5], [sflag:$0x2] =	stream.linear.gather [hbm4b:s31+s22], $0x80, $0x38;
	v63 =	vld [tilespmem:$0x0]  }
0x70: {  	_ =	swait.ge [sflag:s0], $0x80  }
0x71: {  	[sflag:s0] =	ssyncset.done $0x0  }
0x72: {  	[sflag:s0] =	ssyncadd.s32 $0xFFFFFF80  }
0x73: {  	_ =	swait.ge [sflag:s0], $0x80  }
0x74: {  	s10 =	rddreg [dreg:$0x17]  }
0x75: {  	s21 =	sadd.s32 $0x0, s15;
	[sflag:s0] =	ssyncset.done $0x0;
	s20 =	sadd.s32 $0xFFFFFFFE, s10  }
0x76: {  	[sflag:s0] =	ssyncadd.s32 $0xFFFFFF80;
	p0 =	sgt.u32 s20, $0x9C3;
	s20 =	sadd.s32 $0x180, s21  }
0x77: {  	[tilespmem:s13], [sflag:$0x1] =	stream.indirect.gather [hbm4b:s1+s9], $0x80, s4, s9, $0xb8;
	v63 =	vld [tilespmem:$0x0]  }
0x78: {  	s20 =	sand.u32 @!p0 $0x7FF80, s20;
	_ =	swait.ge [sflag:s12], $0x4000;
	s22 =	sadd.s32 @p0 $0x0, s15  }
0x79: {  	s23 =	simm.s32 @p0 $0x0;
	s25 =	simm.s32 @p0 $0x13E00;
	[sflag:s12] =	ssyncset.done $0x0  }
0x7a: {  	s20 =	sadd.s32 @!p0 $0x4E400, s20;
	s22 =	sadd.s32 @p0 $0xFFFB1F80, s22;
	[sflag:s12] =	ssyncadd.s32 $0xFFFFC000  }
0x7b: {  	[spmem:s17] =	stream.indirect.scatter.add.f32 [tilespmem:s11], [sflag:$0x3], $0x80, s3, s9, $0xb8;
	v63 =	vld [tilespmem:$0x0]  }
0x7c: {  	s20 =	sshrl.u32 @!p0 s20, $0x3;
	s22 =	sshrl.u32 @p0 s22, $0x3;
	_ =	swait.ge [sflag:s6], $0x4000  }
0x7d: {  	s20 =	sadd.s32 @!p0 s2, s20;
	s24 =	sadd.s32 @p0 s18, s22;
	[sflag:s6] =	ssyncset.done $0x0  }
0x7e: {  	s22 =	sadd.s32 @p0 s19, s22;
	s26 =	rddreg [dreg:$0x16];
	[sflag:s6] =	ssyncadd.s32 $0xFFFFC000  }
0x7f: {  	[tilespmem:s25], [sflag:$0x2] =	stream.linear.gather @p0 [hbm4b:s24+s23], $0x80, $0x38;
	v63 =	vld [tilespmem:$0x0]  }
0x80: {  	s23 =	sadd.s32 @!p0 $0xFFFFFFE0, s26;
	s24 =	simm.s32 @!p0 $0x0;
	s25 =	simm.s32 @!p0 $0x13E00  }
0x81: {  	[tilespmem:s25], [sflag:$0x2] =	stream.linear.gather @!p0 [hbm4b:s23+s24], $0x80, $0x38;
	v63 =	vld [tilespmem:$0x0]  }
0x82: {  	s20 =	smov.u32 @p0 s22  }
0x83: {  	[tilespmem:s16], [sflag:$0x2] =	stream.linear.gather [hbm4b:s20+s14], $0x80, $0x38;
	v63 =	vld [tilespmem:$0x0]  }
0x84: {  	_ =	swait.ge [sflag:s0], $0x80  }
0x85: {  	[sflag:s0] =	ssyncset.done $0x0  }
0x86: {  	[sflag:s0] =	ssyncadd.s32 $0xFFFFFF80  }
0x87: {  	_ =	swait.ge [sflag:s0], $0x80  }
0x88: {  	s31 =	sadd.s32 $0xFFFFFFFF, s10;
	[sflag:s0] =	ssyncset.done $0x0  }
0x89: {  	p0 =	sgt.u32 s31, $0x9C3;
	[sflag:s0] =	ssyncadd.s32 $0xFFFFFF80  }
0x8a: {  	[tilespmem:s29], [sflag:$0x1] =	stream.indirect.gather [hbm4b:s1+s9], $0x80, s30, s9, $0xb8;
	v63 =	vld [tilespmem:$0x0]  }
0x8b: {  	s22 =	sadd.s32 @p0 $0x0, s15;
	s24 =	simm.s32 @p0 $0x0;
	_ =	swait.ge [sflag:s12], $0x4000  }
0x8c: {  	s25 =	simm.s32 @p0 $0x13E80;
	s20 =	sadd.s32 $0x200, s21;
	[sflag:s12] =	ssyncset.done $0x0  }
0x8d: {  	s22 =	sadd.s32 @p0 $0xFFFB2000, s22;
	s20 =	sand.u32 @!p0 $0x7FF80, s20;
	[sflag:s12] =	ssyncadd.s32 $0xFFFFC000  }
0x8e: {  	[spmem:s17] =	stream.indirect.scatter.add.f32 [tilespmem:s13], [sflag:$0x3], $0x80, s5, s9, $0xb8;
	v63 =	vld [tilespmem:$0x0]  }
0x8f: {  	s22 =	sshrl.u32 @p0 s22, $0x3;
	s20 =	sadd.s32 @!p0 $0x4E400, s20;
	_ =	swait.ge [sflag:s6], $0x4000  }
0x90: {  	s23 =	sadd.s32 @p0 s18, s22;
	s20 =	sshrl.u32 @!p0 s20, $0x3;
	[sflag:s6] =	ssyncset.done $0x0  }
0x91: {  	s22 =	sadd.s32 @p0 s19, s22;
	s20 =	sadd.s32 @!p0 s2, s20;
	[sflag:s6] =	ssyncadd.s32 $0xFFFFC000  }
0x92: {  	[tilespmem:s25], [sflag:$0x2] =	stream.linear.gather @p0 [hbm4b:s23+s24], $0x80, $0x38;
	v63 =	vld [tilespmem:$0x0]  }
0x93: {  	s23 =	sadd.s32 @!p0 $0xFFFFFFF0, s26;
	s24 =	simm.s32 @!p0 $0x0;
	s25 =	simm.s32 @!p0 $0x13E80  }
0x94: {  	[tilespmem:s25], [sflag:$0x2] =	stream.linear.gather @!p0 [hbm4b:s23+s24], $0x80, $0x38;
	v63 =	vld [tilespmem:$0x0]  }
0x95: {  	s8 =	sadd.s32 $0x280, s21;
	s20 =	smov.u32 @p0 s22;
	p0 =	sgt.u32 s10, $0x9C3  }
0x96: {  	[tilespmem:s3], [sflag:$0x2] =	stream.linear.gather [hbm4b:s20+s14], $0x80, $0x38;
	v63 =	vld [tilespmem:$0x0]  }
0x97: {  	s25 =	smov.u32 s26;
	s8 =	sand.u32 @!p0 $0x7FF80, s8;
	_ =	swait.ge [sflag:s0], $0x80  }
0x98: {  	s20 =	sadd.s32 @p0 $0x0, s15;
	s22 =	sadd.s32 @!p0 $0x4E400, s8;
	[sflag:s0] =	ssyncset.done $0x0  }
0x99: {  	s8 =	simm.s32 $0x180;
	s20 =	sadd.s32 @p0 $0xFFFB2080, s20;
	[sflag:s0] =	ssyncadd.s32 $0xFFFFFF80  }
0x9a: {  	s22 =	sshrl.u32 @!p0 s22, $0x3;
	s20 =	sshrl.u32 @p0 s20, $0x3;
	_ =	swait.ge [sflag:s0], $0x80  }
0x9b: {  	s22 =	sadd.s32 @!p0 s2, s22;
	s24 =	sadd.s32 @p0 s18, s20;
	[sflag:s0] =	ssyncset.done $0x0  }
0x9c: {  	s23 =	sadd.s32 @p0 s19, s20;
	s20 =	sadd.s32 $0x3, s10;
	[sflag:s0] =	ssyncadd.s32 $0xFFFFFF80  }
0x9d: {  	[tilespmem:s11], [sflag:$0x1] =	stream.indirect.gather [hbm4b:s1+s9], $0x80, s28, s9, $0xb8;
	v63 =	vld [tilespmem:$0x0]  }
.LBB2_4:
0x9e: {  	_ =	swait.ge [sflag:s12], $0x4000  }
0x9f: {  	s25 =	sadd.s32 $0x30, s25;
	s28 =	smov.u32 s8;
	s8 =	sadd.s32 $0x180, s8  }
0xa0: {  	p1 =	sne.s32 s8, $0x2700;
	[sflag:s12] =	ssyncset.done $0x0  }
0xa1: {  	[sflag:s12] =	ssyncadd.s32 $0xFFFFC000  }
0xa2: {  	[spmem:s17] =	stream.indirect.scatter.add.f32 [tilespmem:s29], [sflag:$0x3], $0x80, s16, s9, $0xb8;
	v63 =	vld [tilespmem:$0x0]  }
0xa3: {  	_ =	swait.ge [sflag:s6], $0x4000  }
0xa4: {  	s21 =	simm.s32 @!p0 $0x0;
	s7 =	simm.s32 @!p0 $0x13F00;
	[sflag:s6] =	ssyncset.done $0x0  }
0xa5: {  	s30 =	simm.s32 @p0 $0x0;
	s31 =	simm.s32 @p0 $0x13F00;
	[sflag:s6] =	ssyncadd.s32 $0xFFFFC000  }
0xa6: {  	[tilespmem:s31], [sflag:$0x2] =	stream.linear.gather @p0 [hbm4b:s24+s30], $0x80, $0x38;
	v63 =	vld [tilespmem:$0x0]  }
0xa7: {  	s24 =	sadd.s32 $0xFFFFFFFE, s20  }
0xa8: {  	s22 =	smov.u32 @p0 s23;
	s30 =	sadd.s32 $0xFFFFFFFF, s20;
	p3 =	sgt.u32 s24, $0x9C3  }
0xa9: {  	[tilespmem:s7], [sflag:$0x2] =	stream.linear.gather @!p0 [hbm4b:s26+s21], $0x80, $0x38;
	v63 =	vld [tilespmem:$0x0]  }
0xaa: {  	p2 =	sgt.u32 s30, $0x9C3;
	s7 =	sadd.s32 s28, s15;
	s26 =	smov.u32 s25  }
0xab: {  	p0 =	sgt.u32 s20, $0x9C3;
	s21 =	sadd.s32 $0x180, s7;
	s23 =	sadd.s32 $0x280, s7  }
0xac: {  	[tilespmem:s5], [sflag:$0x2] =	stream.linear.gather [hbm4b:s22+s14], $0x80, $0x38;
	v63 =	vld [tilespmem:$0x0]  }
0xad: {  	s10 =	simm.s32 @p3 $0x13E00;
	s7 =	sadd.s32 $0x200, s7;
	_ =	swait.ge [sflag:s0], $0x80  }
0xae: {  	s24 =	sadd.s32 @p0 s28, s15;
	s22 =	sadd.s32 @p3 s28, s15;
	[sflag:s0] =	ssyncset.done $0x0  }
0xaf: {  	s21 =	sand.u32 @!p3 $0x7FF80, s21;
	s28 =	sadd.s32 @p2 s28, s15;
	[sflag:s0] =	ssyncadd.s32 $0xFFFFFF80  }
0xb0: {  	s21 =	sadd.s32 @!p3 $0x4E400, s21;
	s28 =	sadd.s32 @p2 $0xFFFB2000, s28;
	_ =	swait.ge [sflag:s0], $0x80  }
0xb1: {  	s22 =	sadd.s32 @p3 $0xFFFB1F80, s22;
	s21 =	sshrl.u32 @!p3 s21, $0x3;
	[sflag:s0] =	ssyncset.done $0x0  }
0xb2: {  	s7 =	sand.u32 @!p2 $0x7FF80, s7;
	s21 =	sadd.s32 @!p3 s2, s21;
	[sflag:s0] =	ssyncadd.s32 $0xFFFFFF80  }
0xb3: {  	[tilespmem:s13], [sflag:$0x1] =	stream.indirect.gather [hbm4b:s1+s9], $0x80, s4, s9, $0xb8;
	v63 =	vld [tilespmem:$0x0]  }
0xb4: {  	s24 =	sadd.s32 @p0 $0xFFFB2080, s24;
	s30 =	sand.u32 @!p0 $0x7FF80, s23;
	_ =	swait.ge [sflag:s12], $0x4000  }
0xb5: {  	s7 =	sadd.s32 @!p2 $0x4E400, s7;
	s22 =	sshrl.u32 @p3 s22, $0x3;
	[sflag:s12] =	ssyncset.done $0x0  }
0xb6: {  	s7 =	sshrl.u32 @!p2 s7, $0x3;
	s23 =	sshrl.u32 @p2 s28, $0x3;
	[sflag:s12] =	ssyncadd.s32 $0xFFFFC000  }
0xb7: {  	[spmem:s17] =	stream.indirect.scatter.add.f32 [tilespmem:s11], [sflag:$0x3], $0x80, s3, s9, $0xb8;
	v63 =	vld [tilespmem:$0x0]  }
0xb8: {  	s31 =	sshrl.u32 @p0 s24, $0x3;
	s28 =	simm.s32 @p3 $0x0;
	_ =	swait.ge [sflag:s6], $0x4000  }
0xb9: {  	s24 =	sadd.s32 @p3 s18, s22;
	s22 =	sadd.s32 @p3 s19, s22;
	[sflag:s6] =	ssyncset.done $0x0  }
0xba: {  	s7 =	sadd.s32 @!p2 s2, s7;
	s21 =	smov.u32 @p3 s22;
	[sflag:s6] =	ssyncadd.s32 $0xFFFFC000  }
0xbb: {  	[tilespmem:s10], [sflag:$0x2] =	stream.linear.gather @p3 [hbm4b:s24+s28], $0x80, $0x38;
	v63 =	vld [tilespmem:$0x0]  }
0xbc: {  	s22 =	simm.s32 @!p3 $0x0;
	s10 =	sadd.s32 @!p3 $0xFFFFFFE0, s25;
	s24 =	simm.s32 @!p3 $0x13E00  }
0xbd: {  	[tilespmem:s24], [sflag:$0x2] =	stream.linear.gather @!p3 [hbm4b:s10+s22], $0x80, $0x38;
	v63 =	vld [tilespmem:$0x0]  }
0xbe: {  	s10 =	sadd.s32 @p2 s18, s23;
	s22 =	sadd.s32 @p2 s19, s23;
	s24 =	sadd.s32 @p0 s18, s31  }
0xbf: {  	[tilespmem:s16], [sflag:$0x2] =	stream.linear.gather [hbm4b:s21+s14], $0x80, $0x38;
	v63 =	vld [tilespmem:$0x0]  }
0xc0: {  	s23 =	sadd.s32 @p0 s19, s31;
	s7 =	smov.u32 @p2 s22;
	_ =	swait.ge [sflag:s0], $0x80  }
0xc1: {  	s21 =	sadd.s32 @!p0 $0x4E400, s30;
	s30 =	simm.s32 $0x13E00;
	[sflag:s0] =	ssyncset.done $0x0  }
0xc2: {  	s21 =	sshrl.u32 @!p0 s21, $0x3;
	[sflag:s0] =	ssyncadd.s32 $0xFFFFFF80  }
0xc3: {  	s22 =	sadd.s32 @!p0 s2, s21;
	_ =	swait.ge [sflag:s0], $0x80  }
0xc4: {  	[sflag:s0] =	ssyncset.done $0x0  }
0xc5: {  	[sflag:s0] =	ssyncadd.s32 $0xFFFFFF80  }
0xc6: {  	[tilespmem:s29], [sflag:$0x1] =	stream.indirect.gather [hbm4b:s1+s9], $0x80, s30, s9, $0xb8;
	v63 =	vld [tilespmem:$0x0]  }
0xc7: {  	_ =	swait.ge [sflag:s12], $0x4000  }
0xc8: {  	[sflag:s12] =	ssyncset.done $0x0  }
0xc9: {  	[sflag:s12] =	ssyncadd.s32 $0xFFFFC000  }
0xca: {  	[spmem:s17] =	stream.indirect.scatter.add.f32 [tilespmem:s13], [sflag:$0x3], $0x80, s5, s9, $0xb8;
	v63 =	vld [tilespmem:$0x0]  }
0xcb: {  	_ =	swait.ge [sflag:s6], $0x4000  }
0xcc: {  	[sflag:s6] =	ssyncset.done $0x0  }
0xcd: {  	s28 =	simm.s32 @p2 $0x13E80;
	s21 =	simm.s32 @p2 $0x0;
	[sflag:s6] =	ssyncadd.s32 $0xFFFFC000  }
0xce: {  	[tilespmem:s28], [sflag:$0x2] =	stream.linear.gather @p2 [hbm4b:s10+s21], $0x80, $0x38;
	v63 =	vld [tilespmem:$0x0]  }
0xcf: {  	s10 =	sadd.s32 @!p2 $0xFFFFFFF0, s25;
	s21 =	simm.s32 @!p2 $0x0;
	s28 =	simm.s32 @!p2 $0x13E80  }
0xd0: {  	[tilespmem:s28], [sflag:$0x2] =	stream.linear.gather @!p2 [hbm4b:s10+s21], $0x80, $0x38;
	v63 =	vld [tilespmem:$0x0]  }
0xd1: {  	s28 =	simm.s32 $0x13E80;
	_ =	sdelay $0x1  }
0xd2: {  	[tilespmem:s3], [sflag:$0x2] =	stream.linear.gather [hbm4b:s7+s14], $0x80, $0x38;
	v63 =	vld [tilespmem:$0x0]  }
0xd3: {  	_ =	swait.ge [sflag:s0], $0x80  }
0xd4: {  	[sflag:s0] =	ssyncset.done $0x0  }
.Ltmp1:
0xd5: {  	[sflag:s0] =	ssyncadd.s32 $0xFFFFFF80;
	(pc) =	sbr.rel @p1 .LBB2_4-.Ltmp1, $4  }
0xd6: {  	_ =	swait.ge [sflag:s0], $0x80  }
0xd7: {  	[sflag:s0] =	ssyncset.done $0x0  }
0xd8: {  	s20 =	sadd.s32 $0x3, s20;
	[sflag:s0] =	ssyncadd.s32 $0xFFFFFF80  }
0xd9: {  	[tilespmem:s11], [sflag:$0x1] =	stream.indirect.gather [hbm4b:s1+s9], $0x80, s28, s9, $0xb8;
	v63 =	vld [tilespmem:$0x0]  }
0xda: {  	_ =	swait.ge [sflag:s12], $0x4000  }
0xdb: {  	[sflag:s12] =	ssyncset.done $0x0  }
0xdc: {  	[sflag:s12] =	ssyncadd.s32 $0xFFFFC000  }
0xdd: {  	[spmem:s17] =	stream.indirect.scatter.add.f32 [tilespmem:s29], [sflag:$0x3], $0x80, s16, s9, $0xb8;
	v63 =	vld [tilespmem:$0x0]  }
0xde: {  	_ =	swait.ge [sflag:s6], $0x4000  }
0xdf: {  	[sflag:s6] =	ssyncset.done $0x0  }
0xe0: {  	s7 =	simm.s32 @p0 $0x0;
	s8 =	simm.s32 @p0 $0x13F00;
	[sflag:s6] =	ssyncadd.s32 $0xFFFFC000  }
0xe1: {  	[tilespmem:s8], [sflag:$0x2] =	stream.linear.gather @p0 [hbm4b:s24+s7], $0x80, $0x38;
	v63 =	vld [tilespmem:$0x0]  }
0xe2: {  	s7 =	simm.s32 @!p0 $0x0;
	s8 =	simm.s32 @!p0 $0x13F00  }
0xe3: {  	[tilespmem:s8], [sflag:$0x2] =	stream.linear.gather @!p0 [hbm4b:s26+s7], $0x80, $0x38;
	v63 =	vld [tilespmem:$0x0]  }
0xe4: {  	s22 =	smov.u32 @p0 s23  }
0xe5: {  	[tilespmem:s5], [sflag:$0x2] =	stream.linear.gather [hbm4b:s22+s14], $0x80, $0x38;
	v63 =	vld [tilespmem:$0x0]  }
0xe6: {  	_ =	swait.ge [sflag:s0], $0x80  }
0xe7: {  	[sflag:s0] =	ssyncset.done $0x0  }
0xe8: {  	[sflag:s0] =	ssyncadd.s32 $0xFFFFFF80  }
0xe9: {  	_ =	swait.ge [sflag:s0], $0x80  }
0xea: {  	[sflag:s0] =	ssyncset.done $0x0  }
0xeb: {  	[sflag:s0] =	ssyncadd.s32 $0xFFFFFF80  }
0xec: {  	[tilespmem:s13], [sflag:$0x1] =	stream.indirect.gather [hbm4b:s1+s9], $0x80, s4, s9, $0xb8;
	v63 =	vld [tilespmem:$0x0]  }
0xed: {  	_ =	swait.ge [sflag:s12], $0x4000  }
0xee: {  	[sflag:s12] =	ssyncset.done $0x0  }
0xef: {  	[sflag:s12] =	ssyncadd.s32 $0xFFFFC000  }
0xf0: {  	[spmem:s17] =	stream.indirect.scatter.add.f32 [tilespmem:s11], [sflag:$0x3], $0x80, s3, s9, $0xb8;
	v63 =	vld [tilespmem:$0x0]  }
0xf1: {  	_ =	swait.ge [sflag:s12], $0x4000  }
0xf2: {  	[sflag:s12] =	ssyncset.done $0x0  }
0xf3: {  	[sflag:s12] =	ssyncadd.s32 $0xFFFFC000  }
0xf4: {  	[spmem:s17] =	stream.indirect.scatter.add.f32 [tilespmem:s13], [sflag:$0x3], $0x80, s5, s9, $0xb8;
	v63 =	vld [tilespmem:$0x0]  }
0xf5: {  	_ =	swait.ge [sflag:s6], $0x4000  }
0xf6: {  	[sflag:s6] =	ssyncset.done $0x0  }
0xf7: {  	[sflag:s6] =	ssyncadd.s32 $0xFFFFC000  }
0xf8: {  	_ =	swait.ge [sflag:s6], $0x4000  }
0xf9: {  	[sflag:s6] =	ssyncset.done $0x0  }
0xfa: {  	[sflag:s6] =	ssyncadd.s32 $0xFFFFC000  }
0xfb: {  	_ =	swait.ge [sflag:s6], $0x4000  }
0xfc: {  	[sflag:s6] =	ssyncset.done $0x0  }
0xfd: {  	[sflag:s6] =	ssyncadd.s32 $0xFFFFC000  }
0xfe: {  	s23 =	stileid.u32;
	[bflag:$0x0] =	sbarrier.arrive $0xFFFF  }
0xff: {  	s7 =	sshll.u32 s23, $0x6;
	s26 =	simm.s32 $0x4;
	s21 =	rddreg [dreg:$0x10]  }
0x100: {  	s7 =	sor.u32 $0x1C04, s7;
	s10 =	rddreg [dreg:$0xb];
	s24 =	sshrl.u32 s21, $0x3  }
0x101: {  	[hbm:s10], [sflag:s7] =	dma.local [spmem:s24], $0x800  }
0x102: {  	_ =	swait.ge [sflag:s26], $0x800  }
0x103: {  	[sflag:s26] =	ssyncset.done $0x0;
	s22 =	rddreg [dreg:$0x11]  }
0x104: {  	s31 =	rddreg [dreg:$0xc];
	[sflag:s26] =	ssyncadd.s32 $0xFFFFF800;
	s25 =	sshrl.u32 s22, $0x3  }
0x105: {  	[hbm:s31], [sflag:s7] =	dma.local [spmem:s25], $0x800  }
0x106: {  	_ =	swait.ge [sflag:s26], $0x800  }
0x107: {  	[sflag:s26] =	ssyncset.done $0x0;
	s23 =	rddreg [dreg:$0x12]  }
0x108: {  	s24 =	rddreg [dreg:$0xd];
	[sflag:s26] =	ssyncadd.s32 $0xFFFFF800;
	s20 =	sshrl.u32 s23, $0x3  }
0x109: {  	[hbm:s24], [sflag:s7] =	dma.local [spmem:s20], $0x800  }
0x10a: {  	_ =	swait.ge [sflag:s26], $0x800  }
0x10b: {  	[sflag:s26] =	ssyncset.done $0x0;
	s24 =	rddreg [dreg:$0x13]  }
0x10c: {  	s31 =	rddreg [dreg:$0xe];
	[sflag:s26] =	ssyncadd.s32 $0xFFFFF800;
	s25 =	sshrl.u32 s24, $0x3  }
0x10d: {  	[hbm:s31], [sflag:s7] =	dma.local [spmem:s25], $0x800  }
0x10e: {  	_ =	swait.ge [sflag:s26], $0x800  }
0x10f: {  	[sflag:s26] =	ssyncset.done $0x0;
	s25 =	rddreg [dreg:$0x14]  }
0x110: {  	s31 =	rddreg [dreg:$0xf];
	[sflag:s26] =	ssyncadd.s32 $0xFFFFF800;
	s20 =	sshrl.u32 s25, $0x3  }
0x111: {  	[hbm:s31], [sflag:s7] =	dma.local [spmem:s20], $0x780  }
0x112: {  	_ =	swait.ge [sflag:s26], $0x780  }
0x113: {  	s20 =	rddreg [dreg:$0x18]  }
0x114: {  	s31 =	rddreg [dreg:$0x15];
	s8 =	sadd.s32 $0x1, s20  }
0x115: {  	p0 =	sne.s32 s8, s31  }
.Ltmp2:
0x116: {  	_ = 	snop;
	(pc) =	sbr.rel @p0 .LBB2_1-.Ltmp2, $3  }
0x117: {  	_ =	sdelay $0x1  }
0x118: {  	[sflag:s26] =	ssyncset.done $0x0  }
0x119: {  	[sflag:s26] =	ssyncadd.s32 $0xFFFFF880  }
0x11a: {  	_ =	sfence.sel $0x180000  }
0x11b: {  	[bflag:$0x0] =	sbarrier.arrive $0xFFFF  }
0x11c: {  	_ =	strace $0x90000047  }
0x11d: {  	s0 =	stileid.u32;
	[bflag:$0x2] =	sbarrier.arrive $0xFFFF  }
0x11e: {  	p0 =	sne.s32 s0, $0x0;
	s0 =	rddreg [dreg:$0x4]  }
0x11f: {  	s0 =	sadd.s32 @!p0 $0x100000, s0  }
0x120: {  	[sflag:s0] =	ssyncadd.tile.s32 @!p0 $0x1;
	_ =	shalt  }
.Lfunc_end2:
_tile_overlayer_lowered:
.L_overlay_start_2:
0x121: {  	(tag) =	ssettag $0x2  }
0x122: {  	s0 =	rddreg [dreg:$0x0];
	s2 =	stileid.u32  }
0x123: {  	s1 =	rddreg [dreg:$0x1];
	p0 =	sne.s32 s2, $0x0  }
0x124: {  	s3 =	rddreg [dreg:$0x2];
	[bflag:$0x3] =	sbarrier.arrive $0xFFFF;
	s2 =	simm.s32 @!p0 $0x1C04  }
0x125: {  	[timem:s3], [sflag:s2] =	dma.local @!p0 [hbm:s0], s1  }
0x126: {  	s0 =	simm.s32 @!p0 $0x4  }
0x127: {  	_ =	swait.ge @!p0 [sflag:s0], s1  }
0x128: {  	s1 =	ssub.s32 @!p0 $0x0, s1;
	[sflag:s0] =	ssyncset.done @!p0 $0x0  }
0x129: {  	[sflag:s0] =	ssyncadd.s32 @!p0 s1  }
0x12a: {  	[bflag:$0x3] =	sbarrier.arrive $0xFFFF  }
0x12b: {  	_ =	shalt  }

</sc_bundles>
